<compile_context>
chip_gen: v7x
topology: tpu7x:2x2x1
jax: 0.10.2.dev20260603
libtpu: 0.0.44.dev20260713+nightly
codegen_flags: <defaults>
</compile_context>

<pallas_src>
import jax
import jax.numpy as jnp
from jax import lax
from jax.experimental import pallas as pl
from jax.experimental.pallas import tpu as pltpu
from jax.experimental.pallas import tpu_sc as plsc

B = 16384
D = 128
HALF = 64
NC = 2
NS = 16
L = 16
NW = NC * NS
BPW = B // NW
GROUPS = BPW // L
MT_WORDS = 12 * HALF
TBL_WORDS = MT_WORDS + 24 * HALF


def _emb_body(tbl_hbm, months_hbm, hours_hbm, out_hbm,
              tbl_v, m_v, h_v, rows_v, sem):
    wid = lax.axis_index("s") * NC + lax.axis_index("c")
    base = wid * BPW
    copies = [
        pltpu.async_copy(tbl_hbm, tbl_v, sem),
        pltpu.async_copy(months_hbm.at[pl.ds(base, BPW)], m_v, sem),
        pltpu.async_copy(hours_hbm.at[pl.ds(base, BPW)], h_v, sem),
    ]
    for c in copies:
        c.wait()

    lane = lax.iota(jnp.int32, L)
    lanec = [lane + c for c in range(0, HALF, L)]
    spl = [jnp.full((L,), l, jnp.int32) for l in range(L)]

    PIPE = 12

    def build(g):
        mb = m_v[pl.ds(g * L, L)] * HALF
        hb = h_v[pl.ds(g * L, L)] * HALF + MT_WORDS
        gbase = g * (L * D)
        pend = []

        def drain():
            off, v = pend.pop(0)
            rows_v[pl.ds(off, L)] = v

        for l in range(L):
            bm = mb.at[spl[l]].get(mode="promise_in_bounds")
            bh = hb.at[spl[l]].get(mode="promise_in_bounds")
            for ci, c in enumerate(range(0, HALF, L)):
                pend.append((gbase + l * D + c,
                             plsc.load_gather(tbl_v, [bm + lanec[ci]])))
                pend.append((gbase + l * D + HALF + c,
                             plsc.load_gather(tbl_v, [bh + lanec[ci]])))
                while len(pend) > PIPE:
                    drain()
        while pend:
            drain()

    NCHUNK = 8
    CG = GROUPS // NCHUNK
    CW = BPW * D // NCHUNK

    def _chunk_copy(c):
        return pltpu.make_async_copy(
            rows_v.at[pl.ds(c * CW, CW)],
            out_hbm.at[pl.ds(base * D + c * CW, CW)], sem)

    @pl.loop(0, GROUPS)
    def _(g):
        build(g)
        for c in range(NCHUNK - 1):
            @pl.when(g == (c + 1) * CG - 1)
            def _(c=c):
                _chunk_copy(c).start()

    pltpu.sync_copy(
        rows_v.at[pl.ds((NCHUNK - 1) * CW, CW)],
        out_hbm.at[pl.ds(base * D + (NCHUNK - 1) * CW, CW)])
    for c in range(NCHUNK - 1):
        _chunk_copy(c).wait()


def kernel(months, hours, month_table, hour_table):
    mesh = plsc.VectorSubcoreMesh(core_axis_name="c", subcore_axis_name="s")
    cp = pltpu.CompilerParams(needs_layout_passes=False, use_tc_tiling_on_sc=False,
                              disable_bounds_checks=True,
                              disable_semaphore_checks=True)
    run = pl.kernel(
        _emb_body,
        out_type=jax.ShapeDtypeStruct((B * D,), jnp.float32),
        mesh=mesh,
        scratch_types=[
            pltpu.VMEM((TBL_WORDS,), jnp.float32),
            pltpu.VMEM((BPW,), jnp.int32),
            pltpu.VMEM((BPW,), jnp.int32),
            pltpu.VMEM((BPW * D,), jnp.float32),
            pltpu.SemaphoreType.DMA,
        ],
        compiler_params=cp,
    )
    tbl = jnp.concatenate([month_table.reshape(-1), hour_table.reshape(-1)])
    out = run(tbl, months.astype(jnp.int32), hours.astype(jnp.int32))
    return out.reshape(B, D)

# --- scband reference (transcript-rebuilt; emitter-appended) ---
"""Pipeline reference for scband-seasonal-embedding-13529146982451 (READ-ONLY COPY).

The authoritative reference and input builder live on the scoring server;
editing this copy changes nothing except your own understanding.
"""

import jax, jax.numpy as jnp
import numpy as np

B = 16384
EMBED_DIM = 128
HALF = EMBED_DIM // 2

def setup_inputs(seed: int = 0) -> dict:
    key = jax.random.key(seed)
    k1, k2, k3, k4 = jax.random.split(key, 4)
    months = jax.random.randint(k1, (B,), 0, 12, dtype=jnp.int64) if jax.config.jax_enable_x64 else jax.random.randint(k1, (B,), 0, 12).astype(jnp.int32)
    hours = jax.random.randint(k2, (B,), 0, 24).astype(months.dtype)
    month_table = jax.random.normal(k3, (12, HALF), dtype=jnp.float32)
    hour_table = jax.random.normal(k4, (24, HALF), dtype=jnp.float32)
    return {"months": months, "hours": hours, "month_table": month_table, "hour_table": hour_table}

def reference(months, hours, month_table, hour_table):
    month_emb = jnp.take(month_table, months, axis=0)
    hour_emb = jnp.take(hour_table, hours, axis=0)
    return jnp.concatenate([month_emb, hour_emb], axis=1)

if __name__ == "__main__":
    import jax
    _d = setup_inputs()
    print(jax.jit(kernel)(*tuple(_d.values())))

</pallas_src>

<mosaic_0001>
#map = affine_map<(d0, d1) -> (0)>
module attributes {stable_mosaic.version = 14 : i64} {
  func.func @_emb_body(%arg0: i32, %arg1: i32, %arg2: memref<2304xf32, #tpu.memory_space<hbm>>, %arg3: memref<16384xi32, #tpu.memory_space<hbm>>, %arg4: memref<16384xi32, #tpu.memory_space<hbm>>, %arg5: memref<2097152xf32, #tpu.memory_space<hbm>>, %arg6: memref<2304xf32, #tpu.memory_space<vmem>>, %arg7: memref<512xi32, #tpu.memory_space<vmem>>, %arg8: memref<512xi32, #tpu.memory_space<vmem>>, %arg9: memref<65536xf32, #tpu.memory_space<vmem>>, %arg10: memref<!tpu.dma_semaphore, #tpu.memory_space<semaphore_mem>>) attributes {dimension_semantics = [#tpu.dimension_semantics<core_parallel>, #tpu.dimension_semantics<subcore_parallel>], iteration_bounds = array<i64: 2, 16>, scalar_prefetch = 0 : i64, scratch_operands = 5 : i64, tpu.core_type = #tpu.core_type<sc_vector_subcore>, window_params = [{transform_indices = #map}, {transform_indices = #map}, {transform_indices = #map}, {transform_indices = #map}]} {
    %mul3A = arith.constant 2 : i32
    %mul3A_0 = arith.muli %arg1, %mul3A : i32
    %add3A = arith.addi %mul3A_0, %arg0 : i32
    %mul3A_1 = arith.constant 512 : i32
    %mul3A_2 = arith.muli %add3A, %mul3A_1 : i32
    tpu.enqueue_dma source(%arg2 : memref<2304xf32, #tpu.memory_space<hbm>>) target(%arg6 : memref<2304xf32, #tpu.memory_space<vmem>>) target_semaphore(%arg10 : memref<!tpu.dma_semaphore, #tpu.memory_space<semaphore_mem>>)
    %dma_start3A = tpu.memref_slice %arg3[%mul3A_2] : memref<16384xi32, #tpu.memory_space<hbm>> -> memref<512xi32, #tpu.memory_space<hbm>>
    %dma_start3A_3 = tpu.memref_slice %arg3[%mul3A_2] : memref<16384xi32, #tpu.memory_space<hbm>> -> memref<512xi32, #tpu.memory_space<hbm>>
    tpu.enqueue_dma source(%dma_start3A_3 : memref<512xi32, #tpu.memory_space<hbm>>) target(%arg7 : memref<512xi32, #tpu.memory_space<vmem>>) target_semaphore(%arg10 : memref<!tpu.dma_semaphore, #tpu.memory_space<semaphore_mem>>)
    %dma_start3A_4 = tpu.memref_slice %arg4[%mul3A_2] : memref<16384xi32, #tpu.memory_space<hbm>> -> memref<512xi32, #tpu.memory_space<hbm>>
    %dma_start3A_5 = tpu.memref_slice %arg4[%mul3A_2] : memref<16384xi32, #tpu.memory_space<hbm>> -> memref<512xi32, #tpu.memory_space<hbm>>
    tpu.enqueue_dma source(%dma_start3A_5 : memref<512xi32, #tpu.memory_space<hbm>>) target(%arg8 : memref<512xi32, #tpu.memory_space<vmem>>) target_semaphore(%arg10 : memref<!tpu.dma_semaphore, #tpu.memory_space<semaphore_mem>>)
    tpu.wait_dma2 semaphore(%arg10 : memref<!tpu.dma_semaphore, #tpu.memory_space<semaphore_mem>>) src(%arg2 : memref<2304xf32, #tpu.memory_space<hbm>>) dst(%arg6 : memref<2304xf32, #tpu.memory_space<vmem>>)
    %dma_wait3A = tpu.memref_slice %arg3[%mul3A_2] : memref<16384xi32, #tpu.memory_space<hbm>> -> memref<512xi32, #tpu.memory_space<hbm>>
    %dma_wait3A_6 = tpu.memref_slice %arg3[%mul3A_2] : memref<16384xi32, #tpu.memory_space<hbm>> -> memref<512xi32, #tpu.memory_space<hbm>>
    tpu.wait_dma2 semaphore(%arg10 : memref<!tpu.dma_semaphore, #tpu.memory_space<semaphore_mem>>) src(%dma_wait3A_6 : memref<512xi32, #tpu.memory_space<hbm>>) dst(%arg7 : memref<512xi32, #tpu.memory_space<vmem>>)
    %dma_wait3A_7 = tpu.memref_slice %arg4[%mul3A_2] : memref<16384xi32, #tpu.memory_space<hbm>> -> memref<512xi32, #tpu.memory_space<hbm>>
    %dma_wait3A_8 = tpu.memref_slice %arg4[%mul3A_2] : memref<16384xi32, #tpu.memory_space<hbm>> -> memref<512xi32, #tpu.memory_space<hbm>>
    tpu.wait_dma2 semaphore(%arg10 : memref<!tpu.dma_semaphore, #tpu.memory_space<semaphore_mem>>) src(%dma_wait3A_8 : memref<512xi32, #tpu.memory_space<hbm>>) dst(%arg8 : memref<512xi32, #tpu.memory_space<vmem>>)
    %iota3A = tpu.iota {dimensions = array<i32: 0>} : vector<16xi32>
    %add3A_9 = arith.constant 0 : i32
    %add3A_10 = vector.broadcast %add3A_9 : i32 to vector<16xi32>
    %add3A_11 = arith.addi %iota3A, %add3A_10 : vector<16xi32>
    %add3A_12 = arith.constant 16 : i32
    %add3A_13 = vector.broadcast %add3A_12 : i32 to vector<16xi32>
    %add3A_14 = arith.addi %iota3A, %add3A_13 : vector<16xi32>
    %add3A_15 = arith.constant 32 : i32
    %add3A_16 = vector.broadcast %add3A_15 : i32 to vector<16xi32>
    %add3A_17 = arith.addi %iota3A, %add3A_16 : vector<16xi32>
    %add3A_18 = arith.constant 48 : i32
    %add3A_19 = vector.broadcast %add3A_18 : i32 to vector<16xi32>
    %add3A_20 = arith.addi %iota3A, %add3A_19 : vector<16xi32>
    %broadcast_in_dim3A = arith.constant 0 : i32
    %broadcast_in_dim3A_21 = vector.broadcast %broadcast_in_dim3A : i32 to vector<16xi32>
    %broadcast_in_dim3A_22 = arith.constant 1 : i32
    %broadcast_in_dim3A_23 = vector.broadcast %broadcast_in_dim3A_22 : i32 to vector<16xi32>
    %broadcast_in_dim3A_24 = arith.constant 2 : i32
    %broadcast_in_dim3A_25 = vector.broadcast %broadcast_in_dim3A_24 : i32 to vector<16xi32>
    %broadcast_in_dim3A_26 = arith.constant 3 : i32
    %broadcast_in_dim3A_27 = vector.broadcast %broadcast_in_dim3A_26 : i32 to vector<16xi32>
    %broadcast_in_dim3A_28 = arith.constant 4 : i32
    %broadcast_in_dim3A_29 = vector.broadcast %broadcast_in_dim3A_28 : i32 to vector<16xi32>
    %broadcast_in_dim3A_30 = arith.constant 5 : i32
    %broadcast_in_dim3A_31 = vector.broadcast %broadcast_in_dim3A_30 : i32 to vector<16xi32>
    %broadcast_in_dim3A_32 = arith.constant 6 : i32
    %broadcast_in_dim3A_33 = vector.broadcast %broadcast_in_dim3A_32 : i32 to vector<16xi32>
    %broadcast_in_dim3A_34 = arith.constant 7 : i32
    %broadcast_in_dim3A_35 = vector.broadcast %broadcast_in_dim3A_34 : i32 to vector<16xi32>
    %broadcast_in_dim3A_36 = arith.constant 8 : i32
    %broadcast_in_dim3A_37 = vector.broadcast %broadcast_in_dim3A_36 : i32 to vector<16xi32>
    %broadcast_in_dim3A_38 = arith.constant 9 : i32
    %broadcast_in_dim3A_39 = vector.broadcast %broadcast_in_dim3A_38 : i32 to vector<16xi32>
    %broadcast_in_dim3A_40 = arith.constant 10 : i32
    %broadcast_in_dim3A_41 = vector.broadcast %broadcast_in_dim3A_40 : i32 to vector<16xi32>
    %broadcast_in_dim3A_42 = arith.constant 11 : i32
    %broadcast_in_dim3A_43 = vector.broadcast %broadcast_in_dim3A_42 : i32 to vector<16xi32>
    %broadcast_in_dim3A_44 = arith.constant 12 : i32
    %broadcast_in_dim3A_45 = vector.broadcast %broadcast_in_dim3A_44 : i32 to vector<16xi32>
    %broadcast_in_dim3A_46 = arith.constant 13 : i32
    %broadcast_in_dim3A_47 = vector.broadcast %broadcast_in_dim3A_46 : i32 to vector<16xi32>
    %broadcast_in_dim3A_48 = arith.constant 14 : i32
    %broadcast_in_dim3A_49 = vector.broadcast %broadcast_in_dim3A_48 : i32 to vector<16xi32>
    %broadcast_in_dim3A_50 = arith.constant 15 : i32
    %broadcast_in_dim3A_51 = vector.broadcast %broadcast_in_dim3A_50 : i32 to vector<16xi32>
    %scan3A = arith.constant 0 : i32
    %scan3A_52 = arith.constant 32 : i32
    %scan3A_53 = arith.addi %scan3A, %scan3A_52 : i32
    %scan3A_54 = arith.constant 1 : i32
    scf.for %scan3A_130 = %scan3A to %scan3A_53 step %scan3A_54  : i32 {
      %mul3A_131 = arith.constant 1 : i32
      %mul3A_132 = arith.muli %scan3A_130, %mul3A_131 : i32
      %add3A_133 = arith.constant 0 : i32
      %add3A_134 = arith.addi %add3A_133, %mul3A_132 : i32
      %mul3A_135 = arith.constant 16 : i32
      %mul3A_136 = arith.muli %add3A_134, %mul3A_135 : i32
      %get3A = arith.index_cast %mul3A_136 : i32 to index
      %get3A_137 = tpu.vector_load %arg7[%get3A] {strides = array<i32>} : memref<512xi32, #tpu.memory_space<vmem>>, vector<16xi32>,
      %mul3A_138 = arith.constant 64 : i32
      %mul3A_139 = vector.broadcast %mul3A_138 : i32 to vector<16xi32>
      %mul3A_140 = arith.muli %get3A_137, %mul3A_139 : vector<16xi32>
      %mul3A_141 = arith.constant 16 : i32
      %mul3A_142 = arith.muli %add3A_134, %mul3A_141 : i32
      %get3A_143 = arith.index_cast %mul3A_142 : i32 to index
      %get3A_144 = tpu.vector_load %arg8[%get3A_143] {strides = array<i32>} : memref<512xi32, #tpu.memory_space<vmem>>, vector<16xi32>,
      %mul3A_145 = arith.constant 64 : i32
      %mul3A_146 = vector.broadcast %mul3A_145 : i32 to vector<16xi32>
      %mul3A_147 = arith.muli %get3A_144, %mul3A_146 : vector<16xi32>
      %add3A_148 = arith.constant 768 : i32
      %add3A_149 = vector.broadcast %add3A_148 : i32 to vector<16xi32>
      %add3A_150 = arith.addi %mul3A_147, %add3A_149 : vector<16xi32>
      %mul3A_151 = arith.constant 2048 : i32
      %mul3A_152 = arith.muli %add3A_134, %mul3A_151 : i32
      %lt3A = arith.constant 0 : i32
      %lt3A_153 = vector.broadcast %lt3A : i32 to vector<16xi32>
      %lt3A_154 = arith.cmpi slt, %broadcast_in_dim3A_21, %lt3A_153 : vector<16xi32>
      %add3A_155 = arith.constant 16 : i32
      %add3A_156 = vector.broadcast %add3A_155 : i32 to vector<16xi32>
      %add3A_157 = arith.addi %broadcast_in_dim3A_21, %add3A_156 : vector<16xi32>
      %select_n3A = arith.select %lt3A_154, %add3A_157, %broadcast_in_dim3A_21 : vector<16xi1>, vector<16xi32>
      %broadcast_in_dim3A_158 = vector.shape_cast %select_n3A : vector<16xi32> to vector<16x1xi32>
      %gather3A = vector.shape_cast %broadcast_in_dim3A_158 : vector<16x1xi32> to vector<16xi32>
      %gather3A_159 = tpu.dynamic_gather %mul3A_140[%gather3A] in [0] : vector<16xi32>, vector<16xi32> -> vector<16xi32>
      %lt3A_160 = arith.constant 0 : i32
      %lt3A_161 = vector.broadcast %lt3A_160 : i32 to vector<16xi32>
      %lt3A_162 = arith.cmpi slt, %broadcast_in_dim3A_21, %lt3A_161 : vector<16xi32>
      %add3A_163 = arith.constant 16 : i32
      %add3A_164 = vector.broadcast %add3A_163 : i32 to vector<16xi32>
      %add3A_165 = arith.addi %broadcast_in_dim3A_21, %add3A_164 : vector<16xi32>
      %select_n3A_166 = arith.select %lt3A_162, %add3A_165, %broadcast_in_dim3A_21 : vector<16xi1>, vector<16xi32>
      %broadcast_in_dim3A_167 = vector.shape_cast %select_n3A_166 : vector<16xi32> to vector<16x1xi32>
      %gather3A_168 = vector.shape_cast %broadcast_in_dim3A_167 : vector<16x1xi32> to vector<16xi32>
      %gather3A_169 = tpu.dynamic_gather %add3A_150[%gather3A_168] in [0] : vector<16xi32>, vector<16xi32> -> vector<16xi32>
      %add3A_170 = arith.constant 0 : i32
      %add3A_171 = arith.addi %mul3A_152, %add3A_170 : i32
      %add3A_172 = arith.constant 0 : i32
      %add3A_173 = arith.addi %add3A_171, %add3A_172 : i32
      %add3A_174 = arith.addi %gather3A_159, %add3A_11 : vector<16xi32>
      %gather3A_175 = tpu.vector_load_idx %arg6[%add3A_174] : memref<2304xf32, #tpu.memory_space<vmem>>[vector<16xi32>], vector<16xf32>,
      %add3A_176 = arith.constant 0 : i32
      %add3A_177 = arith.addi %mul3A_152, %add3A_176 : i32
      %add3A_178 = arith.constant 64 : i32
      %add3A_179 = arith.addi %add3A_177, %add3A_178 : i32
      %add3A_180 = arith.constant 0 : i32
      %add3A_181 = arith.addi %add3A_179, %add3A_180 : i32
      %add3A_182 = arith.addi %gather3A_169, %add3A_11 : vector<16xi32>
      %gather3A_183 = tpu.vector_load_idx %arg6[%add3A_182] : memref<2304xf32, #tpu.memory_space<vmem>>[vector<16xi32>], vector<16xf32>,
      %add3A_184 = arith.constant 0 : i32
      %add3A_185 = arith.addi %mul3A_152, %add3A_184 : i32
      %add3A_186 = arith.constant 16 : i32
      %add3A_187 = arith.addi %add3A_185, %add3A_186 : i32
      %add3A_188 = arith.addi %gather3A_159, %add3A_14 : vector<16xi32>
      %gather3A_189 = tpu.vector_load_idx %arg6[%add3A_188] : memref<2304xf32, #tpu.memory_space<vmem>>[vector<16xi32>], vector<16xf32>,
      %add3A_190 = arith.constant 0 : i32
      %add3A_191 = arith.addi %mul3A_152, %add3A_190 : i32
      %add3A_192 = arith.constant 64 : i32
      %add3A_193 = arith.addi %add3A_191, %add3A_192 : i32
      %add3A_194 = arith.constant 16 : i32
      %add3A_195 = arith.addi %add3A_193, %add3A_194 : i32
      %add3A_196 = arith.addi %gather3A_169, %add3A_14 : vector<16xi32>
      %gather3A_197 = tpu.vector_load_idx %arg6[%add3A_196] : memref<2304xf32, #tpu.memory_space<vmem>>[vector<16xi32>], vector<16xf32>,
      %add3A_198 = arith.constant 0 : i32
      %add3A_199 = arith.addi %mul3A_152, %add3A_198 : i32
      %add3A_200 = arith.constant 32 : i32
      %add3A_201 = arith.addi %add3A_199, %add3A_200 : i32
      %add3A_202 = arith.addi %gather3A_159, %add3A_17 : vector<16xi32>
      %gather3A_203 = tpu.vector_load_idx %arg6[%add3A_202] : memref<2304xf32, #tpu.memory_space<vmem>>[vector<16xi32>], vector<16xf32>,
      %add3A_204 = arith.constant 0 : i32
      %add3A_205 = arith.addi %mul3A_152, %add3A_204 : i32
      %add3A_206 = arith.constant 64 : i32
      %add3A_207 = arith.addi %add3A_205, %add3A_206 : i32
      %add3A_208 = arith.constant 32 : i32
      %add3A_209 = arith.addi %add3A_207, %add3A_208 : i32
      %add3A_210 = arith.addi %gather3A_169, %add3A_17 : vector<16xi32>
      %gather3A_211 = tpu.vector_load_idx %arg6[%add3A_210] : memref<2304xf32, #tpu.memory_space<vmem>>[vector<16xi32>], vector<16xf32>,
      %add3A_212 = arith.constant 0 : i32
      %add3A_213 = arith.addi %mul3A_152, %add3A_212 : i32
      %add3A_214 = arith.constant 48 : i32
      %add3A_215 = arith.addi %add3A_213, %add3A_214 : i32
      %add3A_216 = arith.addi %gather3A_159, %add3A_20 : vector<16xi32>
      %gather3A_217 = tpu.vector_load_idx %arg6[%add3A_216] : memref<2304xf32, #tpu.memory_space<vmem>>[vector<16xi32>], vector<16xf32>,
      %add3A_218 = arith.constant 0 : i32
      %add3A_219 = arith.addi %mul3A_152, %add3A_218 : i32
      %add3A_220 = arith.constant 64 : i32
      %add3A_221 = arith.addi %add3A_219, %add3A_220 : i32
      %add3A_222 = arith.constant 48 : i32
      %add3A_223 = arith.addi %add3A_221, %add3A_222 : i32
      %add3A_224 = arith.addi %gather3A_169, %add3A_20 : vector<16xi32>
      %gather3A_225 = tpu.vector_load_idx %arg6[%add3A_224] : memref<2304xf32, #tpu.memory_space<vmem>>[vector<16xi32>], vector<16xf32>,
      %lt3A_226 = arith.constant 0 : i32
      %lt3A_227 = vector.broadcast %lt3A_226 : i32 to vector<16xi32>
      %lt3A_228 = arith.cmpi slt, %broadcast_in_dim3A_23, %lt3A_227 : vector<16xi32>
      %add3A_229 = arith.constant 16 : i32
      %add3A_230 = vector.broadcast %add3A_229 : i32 to vector<16xi32>
      %add3A_231 = arith.addi %broadcast_in_dim3A_23, %add3A_230 : vector<16xi32>
      %select_n3A_232 = arith.select %lt3A_228, %add3A_231, %broadcast_in_dim3A_23 : vector<16xi1>, vector<16xi32>
      %broadcast_in_dim3A_233 = vector.shape_cast %select_n3A_232 : vector<16xi32> to vector<16x1xi32>
      %gather3A_234 = vector.shape_cast %broadcast_in_dim3A_233 : vector<16x1xi32> to vector<16xi32>
      %gather3A_235 = tpu.dynamic_gather %mul3A_140[%gather3A_234] in [0] : vector<16xi32>, vector<16xi32> -> vector<16xi32>
      %lt3A_236 = arith.constant 0 : i32
      %lt3A_237 = vector.broadcast %lt3A_236 : i32 to vector<16xi32>
      %lt3A_238 = arith.cmpi slt, %broadcast_in_dim3A_23, %lt3A_237 : vector<16xi32>
      %add3A_239 = arith.constant 16 : i32
      %add3A_240 = vector.broadcast %add3A_239 : i32 to vector<16xi32>
      %add3A_241 = arith.addi %broadcast_in_dim3A_23, %add3A_240 : vector<16xi32>
      %select_n3A_242 = arith.select %lt3A_238, %add3A_241, %broadcast_in_dim3A_23 : vector<16xi1>, vector<16xi32>
      %broadcast_in_dim3A_243 = vector.shape_cast %select_n3A_242 : vector<16xi32> to vector<16x1xi32>
      %gather3A_244 = vector.shape_cast %broadcast_in_dim3A_243 : vector<16x1xi32> to vector<16xi32>
      %gather3A_245 = tpu.dynamic_gather %add3A_150[%gather3A_244] in [0] : vector<16xi32>, vector<16xi32> -> vector<16xi32>
      %add3A_246 = arith.constant 128 : i32
      %add3A_247 = arith.addi %mul3A_152, %add3A_246 : i32
      %add3A_248 = arith.constant 0 : i32
      %add3A_249 = arith.addi %add3A_247, %add3A_248 : i32
      %add3A_250 = arith.addi %gather3A_235, %add3A_11 : vector<16xi32>
      %gather3A_251 = tpu.vector_load_idx %arg6[%add3A_250] : memref<2304xf32, #tpu.memory_space<vmem>>[vector<16xi32>], vector<16xf32>,
      %add3A_252 = arith.constant 128 : i32
      %add3A_253 = arith.addi %mul3A_152, %add3A_252 : i32
      %add3A_254 = arith.constant 64 : i32
      %add3A_255 = arith.addi %add3A_253, %add3A_254 : i32
      %add3A_256 = arith.constant 0 : i32
      %add3A_257 = arith.addi %add3A_255, %add3A_256 : i32
      %add3A_258 = arith.addi %gather3A_245, %add3A_11 : vector<16xi32>
      %gather3A_259 = tpu.vector_load_idx %arg6[%add3A_258] : memref<2304xf32, #tpu.memory_space<vmem>>[vector<16xi32>], vector<16xf32>,
      %add3A_260 = arith.constant 128 : i32
      %add3A_261 = arith.addi %mul3A_152, %add3A_260 : i32
      %add3A_262 = arith.constant 16 : i32
      %add3A_263 = arith.addi %add3A_261, %add3A_262 : i32
      %add3A_264 = arith.addi %gather3A_235, %add3A_14 : vector<16xi32>
      %gather3A_265 = tpu.vector_load_idx %arg6[%add3A_264] : memref<2304xf32, #tpu.memory_space<vmem>>[vector<16xi32>], vector<16xf32>,
      %add3A_266 = arith.constant 128 : i32
      %add3A_267 = arith.addi %mul3A_152, %add3A_266 : i32
      %add3A_268 = arith.constant 64 : i32
      %add3A_269 = arith.addi %add3A_267, %add3A_268 : i32
      %add3A_270 = arith.constant 16 : i32
      %add3A_271 = arith.addi %add3A_269, %add3A_270 : i32
      %add3A_272 = arith.addi %gather3A_245, %add3A_14 : vector<16xi32>
      %gather3A_273 = tpu.vector_load_idx %arg6[%add3A_272] : memref<2304xf32, #tpu.memory_space<vmem>>[vector<16xi32>], vector<16xf32>,
      %add3A_274 = arith.constant 128 : i32
      %add3A_275 = arith.addi %mul3A_152, %add3A_274 : i32
      %add3A_276 = arith.constant 32 : i32
      %add3A_277 = arith.addi %add3A_275, %add3A_276 : i32
      %add3A_278 = arith.addi %gather3A_235, %add3A_17 : vector<16xi32>
      %gather3A_279 = tpu.vector_load_idx %arg6[%add3A_278] : memref<2304xf32, #tpu.memory_space<vmem>>[vector<16xi32>], vector<16xf32>,
      %add3A_280 = arith.constant 128 : i32
      %add3A_281 = arith.addi %mul3A_152, %add3A_280 : i32
      %add3A_282 = arith.constant 64 : i32
      %add3A_283 = arith.addi %add3A_281, %add3A_282 : i32
      %add3A_284 = arith.constant 32 : i32
      %add3A_285 = arith.addi %add3A_283, %add3A_284 : i32
      %add3A_286 = arith.addi %gather3A_245, %add3A_17 : vector<16xi32>
      %gather3A_287 = tpu.vector_load_idx %arg6[%add3A_286] : memref<2304xf32, #tpu.memory_space<vmem>>[vector<16xi32>], vector<16xf32>,
      %swap3A = arith.index_cast %add3A_173 : i32 to index
      %swap3A_288 = tpu.vector_load %arg9[%swap3A] {strides = array<i32>} : memref<65536xf32, #tpu.memory_space<vmem>>, vector<16xf32>,
      tpu.vector_store %arg9[%swap3A], %gather3A_175 {strides = array<i32>} : memref<65536xf32, #tpu.memory_space<vmem>>, vector<16xf32>,
      %swap3A_289 = arith.index_cast %add3A_181 : i32 to index
      %swap3A_290 = tpu.vector_load %arg9[%swap3A_289] {strides = array<i32>} : memref<65536xf32, #tpu.memory_space<vmem>>, vector<16xf32>,
      tpu.vector_store %arg9[%swap3A_289], %gather3A_183 {strides = array<i32>} : memref<65536xf32, #tpu.memory_space<vmem>>, vector<16xf32>,
      %add3A_291 = arith.constant 128 : i32
      %add3A_292 = arith.addi %mul3A_152, %add3A_291 : i32
      %add3A_293 = arith.constant 48 : i32
      %add3A_294 = arith.addi %add3A_292, %add3A_293 : i32
      %add3A_295 = arith.addi %gather3A_235, %add3A_20 : vector<16xi32>
      %gather3A_296 = tpu.vector_load_idx %arg6[%add3A_295] : memref<2304xf32, #tpu.memory_space<vmem>>[vector<16xi32>], vector<16xf32>,
      %add3A_297 = arith.constant 128 : i32
      %add3A_298 = arith.addi %mul3A_152, %add3A_297 : i32
      %add3A_299 = arith.constant 64 : i32
      %add3A_300 = arith.addi %add3A_298, %add3A_299 : i32
      %add3A_301 = arith.constant 48 : i32
      %add3A_302 = arith.addi %add3A_300, %add3A_301 : i32
      %add3A_303 = arith.addi %gather3A_245, %add3A_20 : vector<16xi32>
      %gather3A_304 = tpu.vector_load_idx %arg6[%add3A_303] : memref<2304xf32, #tpu.memory_space<vmem>>[vector<16xi32>], vector<16xf32>,
      %swap3A_305 = arith.index_cast %add3A_187 : i32 to index
      %swap3A_306 = tpu.vector_load %arg9[%swap3A_305] {strides = array<i32>} : memref<65536xf32, #tpu.memory_space<vmem>>, vector<16xf32>,
      tpu.vector_store %arg9[%swap3A_305], %gather3A_189 {strides = array<i32>} : memref<65536xf32, #tpu.memory_space<vmem>>, vector<16xf32>,
      %swap3A_307 = arith.index_cast %add3A_195 : i32 to index
      %swap3A_308 = tpu.vector_load %arg9[%swap3A_307] {strides = array<i32>} : memref<65536xf32, #tpu.memory_space<vmem>>, vector<16xf32>,
      tpu.vector_store %arg9[%swap3A_307], %gather3A_197 {strides = array<i32>} : memref<65536xf32, #tpu.memory_space<vmem>>, vector<16xf32>,
      %lt3A_309 = arith.constant 0 : i32
      %lt3A_310 = vector.broadcast %lt3A_309 : i32 to vector<16xi32>
      %lt3A_311 = arith.cmpi slt, %broadcast_in_dim3A_25, %lt3A_310 : vector<16xi32>
      %add3A_312 = arith.constant 16 : i32
      %add3A_313 = vector.broadcast %add3A_312 : i32 to vector<16xi32>
      %add3A_314 = arith.addi %broadcast_in_dim3A_25, %add3A_313 : vector<16xi32>
      %select_n3A_315 = arith.select %lt3A_311, %add3A_314, %broadcast_in_dim3A_25 : vector<16xi1>, vector<16xi32>
      %broadcast_in_dim3A_316 = vector.shape_cast %select_n3A_315 : vector<16xi32> to vector<16x1xi32>
      %gather3A_317 = vector.shape_cast %broadcast_in_dim3A_316 : vector<16x1xi32> to vector<16xi32>
      %gather3A_318 = tpu.dynamic_gather %mul3A_140[%gather3A_317] in [0] : vector<16xi32>, vector<16xi32> -> vector<16xi32>
      %lt3A_319 = arith.constant 0 : i32
      %lt3A_320 = vector.broadcast %lt3A_319 : i32 to vector<16xi32>
      %lt3A_321 = arith.cmpi slt, %broadcast_in_dim3A_25, %lt3A_320 : vector<16xi32>
      %add3A_322 = arith.constant 16 : i32
      %add3A_323 = vector.broadcast %add3A_322 : i32 to vector<16xi32>
      %add3A_324 = arith.addi %broadcast_in_dim3A_25, %add3A_323 : vector<16xi32>
      %select_n3A_325 = arith.select %lt3A_321, %add3A_324, %broadcast_in_dim3A_25 : vector<16xi1>, vector<16xi32>
      %broadcast_in_dim3A_326 = vector.shape_cast %select_n3A_325 : vector<16xi32> to vector<16x1xi32>
      %gather3A_327 = vector.shape_cast %broadcast_in_dim3A_326 : vector<16x1xi32> to vector<16xi32>
      %gather3A_328 = tpu.dynamic_gather %add3A_150[%gather3A_327] in [0] : vector<16xi32>, vector<16xi32> -> vector<16xi32>
      %add3A_329 = arith.constant 256 : i32
      %add3A_330 = arith.addi %mul3A_152, %add3A_329 : i32
      %add3A_331 = arith.constant 0 : i32
      %add3A_332 = arith.addi %add3A_330, %add3A_331 : i32
      %add3A_333 = arith.addi %gather3A_318, %add3A_11 : vector<16xi32>
      %gather3A_334 = tpu.vector_load_idx %arg6[%add3A_333] : memref<2304xf32, #tpu.memory_space<vmem>>[vector<16xi32>], vector<16xf32>,
      %add3A_335 = arith.constant 256 : i32
      %add3A_336 = arith.addi %mul3A_152, %add3A_335 : i32
      %add3A_337 = arith.constant 64 : i32
      %add3A_338 = arith.addi %add3A_336, %add3A_337 : i32
      %add3A_339 = arith.constant 0 : i32
      %add3A_340 = arith.addi %add3A_338, %add3A_339 : i32
      %add3A_341 = arith.addi %gather3A_328, %add3A_11 : vector<16xi32>
      %gather3A_342 = tpu.vector_load_idx %arg6[%add3A_341] : memref<2304xf32, #tpu.memory_space<vmem>>[vector<16xi32>], vector<16xf32>,
      %swap3A_343 = arith.index_cast %add3A_201 : i32 to index
      %swap3A_344 = tpu.vector_load %arg9[%swap3A_343] {strides = array<i32>} : memref<65536xf32, #tpu.memory_space<vmem>>, vector<16xf32>,
      tpu.vector_store %arg9[%swap3A_343], %gather3A_203 {strides = array<i32>} : memref<65536xf32, #tpu.memory_space<vmem>>, vector<16xf32>,
      %swap3A_345 = arith.index_cast %add3A_209 : i32 to index
      %swap3A_346 = tpu.vector_load %arg9[%swap3A_345] {strides = array<i32>} : memref<65536xf32, #tpu.memory_space<vmem>>, vector<16xf32>,
      tpu.vector_store %arg9[%swap3A_345], %gather3A_211 {strides = array<i32>} : memref<65536xf32, #tpu.memory_space<vmem>>, vector<16xf32>,
      %add3A_347 = arith.constant 256 : i32
      %add3A_348 = arith.addi %mul3A_152, %add3A_347 : i32
      %add3A_349 = arith.constant 16 : i32
      %add3A_350 = arith.addi %add3A_348, %add3A_349 : i32
      %add3A_351 = arith.addi %gather3A_318, %add3A_14 : vector<16xi32>
      %gather3A_352 = tpu.vector_load_idx %arg6[%add3A_351] : memref<2304xf32, #tpu.memory_space<vmem>>[vector<16xi32>], vector<16xf32>,
      %add3A_353 = arith.constant 256 : i32
      %add3A_354 = arith.addi %mul3A_152, %add3A_353 : i32
      %add3A_355 = arith.constant 64 : i32
      %add3A_356 = arith.addi %add3A_354, %add3A_355 : i32
      %add3A_357 = arith.constant 16 : i32
      %add3A_358 = arith.addi %add3A_356, %add3A_357 : i32
      %add3A_359 = arith.addi %gather3A_328, %add3A_14 : vector<16xi32>
      %gather3A_360 = tpu.vector_load_idx %arg6[%add3A_359] : memref<2304xf32, #tpu.memory_space<vmem>>[vector<16xi32>], vector<16xf32>,
      %swap3A_361 = arith.index_cast %add3A_215 : i32 to index
      %swap3A_362 = tpu.vector_load %arg9[%swap3A_361] {strides = array<i32>} : memref<65536xf32, #tpu.memory_space<vmem>>, vector<16xf32>,
      tpu.vector_store %arg9[%swap3A_361], %gather3A_217 {strides = array<i32>} : memref<65536xf32, #tpu.memory_space<vmem>>, vector<16xf32>,
      %swap3A_363 = arith.index_cast %add3A_223 : i32 to index
      %swap3A_364 = tpu.vector_load %arg9[%swap3A_363] {strides = array<i32>} : memref<65536xf32, #tpu.memory_space<vmem>>, vector<16xf32>,
      tpu.vector_store %arg9[%swap3A_363], %gather3A_225 {strides = array<i32>} : memref<65536xf32, #tpu.memory_space<vmem>>, vector<16xf32>,
      %add3A_365 = arith.constant 256 : i32
      %add3A_366 = arith.addi %mul3A_152, %add3A_365 : i32
      %add3A_367 = arith.constant 32 : i32
      %add3A_368 = arith.addi %add3A_366, %add3A_367 : i32
      %add3A_369 = arith.addi %gather3A_318, %add3A_17 : vector<16xi32>
      %gather3A_370 = tpu.vector_load_idx %arg6[%add3A_369] : memref<2304xf32, #tpu.memory_space<vmem>>[vector<16xi32>], vector<16xf32>,
      %add3A_371 = arith.constant 256 : i32
      %add3A_372 = arith.addi %mul3A_152, %add3A_371 : i32
      %add3A_373 = arith.constant 64 : i32
      %add3A_374 = arith.addi %add3A_372, %add3A_373 : i32
      %add3A_375 = arith.constant 32 : i32
      %add3A_376 = arith.addi %add3A_374, %add3A_375 : i32
      %add3A_377 = arith.addi %gather3A_328, %add3A_17 : vector<16xi32>
      %gather3A_378 = tpu.vector_load_idx %arg6[%add3A_377] : memref<2304xf32, #tpu.memory_space<vmem>>[vector<16xi32>], vector<16xf32>,
      %swap3A_379 = arith.index_cast %add3A_249 : i32 to index
      %swap3A_380 = tpu.vector_load %arg9[%swap3A_379] {strides = array<i32>} : memref<65536xf32, #tpu.memory_space<vmem>>, vector<16xf32>,
      tpu.vector_store %arg9[%swap3A_379], %gather3A_251 {strides = array<i32>} : memref<65536xf32, #tpu.memory_space<vmem>>, vector<16xf32>,
      %swap3A_381 = arith.index_cast %add3A_257 : i32 to index
      %swap3A_382 = tpu.vector_load %arg9[%swap3A_381] {strides = array<i32>} : memref<65536xf32, #tpu.memory_space<vmem>>, vector<16xf32>,
      tpu.vector_store %arg9[%swap3A_381], %gather3A_259 {strides = array<i32>} : memref<65536xf32, #tpu.memory_space<vmem>>, vector<16xf32>,
      %add3A_383 = arith.constant 256 : i32
      %add3A_384 = arith.addi %mul3A_152, %add3A_383 : i32
      %add3A_385 = arith.constant 48 : i32
      %add3A_386 = arith.addi %add3A_384, %add3A_385 : i32
      %add3A_387 = arith.addi %gather3A_318, %add3A_20 : vector<16xi32>
      %gather3A_388 = tpu.vector_load_idx %arg6[%add3A_387] : memref<2304xf32, #tpu.memory_space<vmem>>[vector<16xi32>], vector<16xf32>,
      %add3A_389 = arith.constant 256 : i32
      %add3A_390 = arith.addi %mul3A_152, %add3A_389 : i32
      %add3A_391 = arith.constant 64 : i32
      %add3A_392 = arith.addi %add3A_390, %add3A_391 : i32
      %add3A_393 = arith.constant 48 : i32
      %add3A_394 = arith.addi %add3A_392, %add3A_393 : i32
      %add3A_395 = arith.addi %gather3A_328, %add3A_20 : vector<16xi32>
      %gather3A_396 = tpu.vector_load_idx %arg6[%add3A_395] : memref<2304xf32, #tpu.memory_space<vmem>>[vector<16xi32>], vector<16xf32>,
      %swap3A_397 = arith.index_cast %add3A_263 : i32 to index
      %swap3A_398 = tpu.vector_load %arg9[%swap3A_397] {strides = array<i32>} : memref<65536xf32, #tpu.memory_space<vmem>>, vector<16xf32>,
      tpu.vector_store %arg9[%swap3A_397], %gather3A_265 {strides = array<i32>} : memref<65536xf32, #tpu.memory_space<vmem>>, vector<16xf32>,
      %swap3A_399 = arith.index_cast %add3A_271 : i32 to index
      %swap3A_400 = tpu.vector_load %arg9[%swap3A_399] {strides = array<i32>} : memref<65536xf32, #tpu.memory_space<vmem>>, vector<16xf32>,
      tpu.vector_store %arg9[%swap3A_399], %gather3A_273 {strides = array<i32>} : memref<65536xf32, #tpu.memory_space<vmem>>, vector<16xf32>,
      %lt3A_401 = arith.constant 0 : i32
      %lt3A_402 = vector.broadcast %lt3A_401 : i32 to vector<16xi32>
      %lt3A_403 = arith.cmpi slt, %broadcast_in_dim3A_27, %lt3A_402 : vector<16xi32>
      %add3A_404 = arith.constant 16 : i32
      %add3A_405 = vector.broadcast %add3A_404 : i32 to vector<16xi32>
      %add3A_406 = arith.addi %broadcast_in_dim3A_27, %add3A_405 : vector<16xi32>
      %select_n3A_407 = arith.select %lt3A_403, %add3A_406, %broadcast_in_dim3A_27 : vector<16xi1>, vector<16xi32>
      %broadcast_in_dim3A_408 = vector.shape_cast %select_n3A_407 : vector<16xi32> to vector<16x1xi32>
      %gather3A_409 = vector.shape_cast %broadcast_in_dim3A_408 : vector<16x1xi32> to vector<16xi32>
      %gather3A_410 = tpu.dynamic_gather %mul3A_140[%gather3A_409] in [0] : vector<16xi32>, vector<16xi32> -> vector<16xi32>
      %lt3A_411 = arith.constant 0 : i32
      %lt3A_412 = vector.broadcast %lt3A_411 : i32 to vector<16xi32>
      %lt3A_413 = arith.cmpi slt, %broadcast_in_dim3A_27, %lt3A_412 : vector<16xi32>
      %add3A_414 = arith.constant 16 : i32
      %add3A_415 = vector.broadcast %add3A_414 : i32 to vector<16xi32>
      %add3A_416 = arith.addi %broadcast_in_dim3A_27, %add3A_415 : vector<16xi32>
      %select_n3A_417 = arith.select %lt3A_413, %add3A_416, %broadcast_in_dim3A_27 : vector<16xi1>, vector<16xi32>
      %broadcast_in_dim3A_418 = vector.shape_cast %select_n3A_417 : vector<16xi32> to vector<16x1xi32>
      %gather3A_419 = vector.shape_cast %broadcast_in_dim3A_418 : vector<16x1xi32> to vector<16xi32>
      %gather3A_420 = tpu.dynamic_gather %add3A_150[%gather3A_419] in [0] : vector<16xi32>, vector<16xi32> -> vector<16xi32>
      %add3A_421 = arith.constant 384 : i32
      %add3A_422 = arith.addi %mul3A_152, %add3A_421 : i32
      %add3A_423 = arith.constant 0 : i32
      %add3A_424 = arith.addi %add3A_422, %add3A_423 : i32
      %add3A_425 = arith.addi %gather3A_410, %add3A_11 : vector<16xi32>
      %gather3A_426 = tpu.vector_load_idx %arg6[%add3A_425] : memref<2304xf32, #tpu.memory_space<vmem>>[vector<16xi32>], vector<16xf32>,
      %add3A_427 = arith.constant 384 : i32
      %add3A_428 = arith.addi %mul3A_152, %add3A_427 : i32
      %add3A_429 = arith.constant 64 : i32
      %add3A_430 = arith.addi %add3A_428, %add3A_429 : i32
      %add3A_431 = arith.constant 0 : i32
      %add3A_432 = arith.addi %add3A_430, %add3A_431 : i32
      %add3A_433 = arith.addi %gather3A_420, %add3A_11 : vector<16xi32>
      %gather3A_434 = tpu.vector_load_idx %arg6[%add3A_433] : memref<2304xf32, #tpu.memory_space<vmem>>[vector<16xi32>], vector<16xf32>,
      %swap3A_435 = arith.index_cast %add3A_277 : i32 to index
      %swap3A_436 = tpu.vector_load %arg9[%swap3A_435] {strides = array<i32>} : memref<65536xf32, #tpu.memory_space<vmem>>, vector<16xf32>,
      tpu.vector_store %arg9[%swap3A_435], %gather3A_279 {strides = array<i32>} : memref<65536xf32, #tpu.memory_space<vmem>>, vector<16xf32>,
      %swap3A_437 = arith.index_cast %add3A_285 : i32 to index
      %swap3A_438 = tpu.vector_load %arg9[%swap3A_437] {strides = array<i32>} : memref<65536xf32, #tpu.memory_space<vmem>>, vector<16xf32>,
      tpu.vector_store %arg9[%swap3A_437], %gather3A_287 {strides = array<i32>} : memref<65536xf32, #tpu.memory_space<vmem>>, vector<16xf32>,
      %add3A_439 = arith.constant 384 : i32
      %add3A_440 = arith.addi %mul3A_152, %add3A_439 : i32
      %add3A_441 = arith.constant 16 : i32
      %add3A_442 = arith.addi %add3A_440, %add3A_441 : i32
      %add3A_443 = arith.addi %gather3A_410, %add3A_14 : vector<16xi32>
      %gather3A_444 = tpu.vector_load_idx %arg6[%add3A_443] : memref<2304xf32, #tpu.memory_space<vmem>>[vector<16xi32>], vector<16xf32>,
      %add3A_445 = arith.constant 384 : i32
      %add3A_446 = arith.addi %mul3A_152, %add3A_445 : i32
      %add3A_447 = arith.constant 64 : i32
      %add3A_448 = arith.addi %add3A_446, %add3A_447 : i32
      %add3A_449 = arith.constant 16 : i32
      %add3A_450 = arith.addi %add3A_448, %add3A_449 : i32
      %add3A_451 = arith.addi %gather3A_420, %add3A_14 : vector<16xi32>
      %gather3A_452 = tpu.vector_load_idx %arg6[%add3A_451] : memref<2304xf32, #tpu.memory_space<vmem>>[vector<16xi32>], vector<16xf32>,
      %swap3A_453 = arith.index_cast %add3A_294 : i32 to index
      %swap3A_454 = tpu.vector_load %arg9[%swap3A_453] {strides = array<i32>} : memref<65536xf32, #tpu.memory_space<vmem>>, vector<16xf32>,
      tpu.vector_store %arg9[%swap3A_453], %gather3A_296 {strides = array<i32>} : memref<65536xf32, #tpu.memory_space<vmem>>, vector<16xf32>,
      %swap3A_455 = arith.index_cast %add3A_302 : i32 to index
      %swap3A_456 = tpu.vector_load %arg9[%swap3A_455] {strides = array<i32>} : memref<65536xf32, #tpu.memory_space<vmem>>, vector<16xf32>,
      tpu.vector_store %arg9[%swap3A_455], %gather3A_304 {strides = array<i32>} : memref<65536xf32, #tpu.memory_space<vmem>>, vector<16xf32>,
      %add3A_457 = arith.constant 384 : i32
      %add3A_458 = arith.addi %mul3A_152, %add3A_457 : i32
      %add3A_459 = arith.constant 32 : i32
      %add3A_460 = arith.addi %add3A_458, %add3A_459 : i32
      %add3A_461 = arith.addi %gather3A_410, %add3A_17 : vector<16xi32>
      %gather3A_462 = tpu.vector_load_idx %arg6[%add3A_461] : memref<2304xf32, #tpu.memory_space<vmem>>[vector<16xi32>], vector<16xf32>,
      %add3A_463 = arith.constant 384 : i32
      %add3A_464 = arith.addi %mul3A_152, %add3A_463 : i32
      %add3A_465 = arith.constant 64 : i32
      %add3A_466 = arith.addi %add3A_464, %add3A_465 : i32
      %add3A_467 = arith.constant 32 : i32
      %add3A_468 = arith.addi %add3A_466, %add3A_467 : i32
      %add3A_469 = arith.addi %gather3A_420, %add3A_17 : vector<16xi32>
      %gather3A_470 = tpu.vector_load_idx %arg6[%add3A_469] : memref<2304xf32, #tpu.memory_space<vmem>>[vector<16xi32>], vector<16xf32>,
      %swap3A_471 = arith.index_cast %add3A_332 : i32 to index
      %swap3A_472 = tpu.vector_load %arg9[%swap3A_471] {strides = array<i32>} : memref<65536xf32, #tpu.memory_space<vmem>>, vector<16xf32>,
      tpu.vector_store %arg9[%swap3A_471], %gather3A_334 {strides = array<i32>} : memref<65536xf32, #tpu.memory_space<vmem>>, vector<16xf32>,
      %swap3A_473 = arith.index_cast %add3A_340 : i32 to index
      %swap3A_474 = tpu.vector_load %arg9[%swap3A_473] {strides = array<i32>} : memref<65536xf32, #tpu.memory_space<vmem>>, vector<16xf32>,
      tpu.vector_store %arg9[%swap3A_473], %gather3A_342 {strides = array<i32>} : memref<65536xf32, #tpu.memory_space<vmem>>, vector<16xf32>,
      %add3A_475 = arith.constant 384 : i32
      %add3A_476 = arith.addi %mul3A_152, %add3A_475 : i32
      %add3A_477 = arith.constant 48 : i32
      %add3A_478 = arith.addi %add3A_476, %add3A_477 : i32
      %add3A_479 = arith.addi %gather3A_410, %add3A_20 : vector<16xi32>
      %gather3A_480 = tpu.vector_load_idx %arg6[%add3A_479] : memref<2304xf32, #tpu.memory_space<vmem>>[vector<16xi32>], vector<16xf32>,
      %add3A_481 = arith.constant 384 : i32
      %add3A_482 = arith.addi %mul3A_152, %add3A_481 : i32
      %add3A_483 = arith.constant 64 : i32
      %add3A_484 = arith.addi %add3A_482, %add3A_483 : i32
      %add3A_485 = arith.constant 48 : i32
      %add3A_486 = arith.addi %add3A_484, %add3A_485 : i32
      %add3A_487 = arith.addi %gather3A_420, %add3A_20 : vector<16xi32>
      %gather3A_488 = tpu.vector_load_idx %arg6[%add3A_487] : memref<2304xf32, #tpu.memory_space<vmem>>[vector<16xi32>], vector<16xf32>,
      %swap3A_489 = arith.index_cast %add3A_350 : i32 to index
      %swap3A_490 = tpu.vector_load %arg9[%swap3A_489] {strides = array<i32>} : memref<65536xf32, #tpu.memory_space<vmem>>, vector<16xf32>,
      tpu.vector_store %arg9[%swap3A_489], %gather3A_352 {strides = array<i32>} : memref<65536xf32, #tpu.memory_space<vmem>>, vector<16xf32>,
      %swap3A_491 = arith.index_cast %add3A_358 : i32 to index
      %swap3A_492 = tpu.vector_load %arg9[%swap3A_491] {strides = array<i32>} : memref<65536xf32, #tpu.memory_space<vmem>>, vector<16xf32>,
      tpu.vector_store %arg9[%swap3A_491], %gather3A_360 {strides = array<i32>} : memref<65536xf32, #tpu.memory_space<vmem>>, vector<16xf32>,
      %lt3A_493 = arith.constant 0 : i32
      %lt3A_494 = vector.broadcast %lt3A_493 : i32 to vector<16xi32>
      %lt3A_495 = arith.cmpi slt, %broadcast_in_dim3A_29, %lt3A_494 : vector<16xi32>
      %add3A_496 = arith.constant 16 : i32
      %add3A_497 = vector.broadcast %add3A_496 : i32 to vector<16xi32>
      %add3A_498 = arith.addi %broadcast_in_dim3A_29, %add3A_497 : vector<16xi32>
      %select_n3A_499 = arith.select %lt3A_495, %add3A_498, %broadcast_in_dim3A_29 : vector<16xi1>, vector<16xi32>
      %broadcast_in_dim3A_500 = vector.shape_cast %select_n3A_499 : vector<16xi32> to vector<16x1xi32>
      %gather3A_501 = vector.shape_cast %broadcast_in_dim3A_500 : vector<16x1xi32> to vector<16xi32>
      %gather3A_502 = tpu.dynamic_gather %mul3A_140[%gather3A_501] in [0] : vector<16xi32>, vector<16xi32> -> vector<16xi32>
      %lt3A_503 = arith.constant 0 : i32
      %lt3A_504 = vector.broadcast %lt3A_503 : i32 to vector<16xi32>
      %lt3A_505 = arith.cmpi slt, %broadcast_in_dim3A_29, %lt3A_504 : vector<16xi32>
      %add3A_506 = arith.constant 16 : i32
      %add3A_507 = vector.broadcast %add3A_506 : i32 to vector<16xi32>
      %add3A_508 = arith.addi %broadcast_in_dim3A_29, %add3A_507 : vector<16xi32>
      %select_n3A_509 = arith.select %lt3A_505, %add3A_508, %broadcast_in_dim3A_29 : vector<16xi1>, vector<16xi32>
      %broadcast_in_dim3A_510 = vector.shape_cast %select_n3A_509 : vector<16xi32> to vector<16x1xi32>
      %gather3A_511 = vector.shape_cast %broadcast_in_dim3A_510 : vector<16x1xi32> to vector<16xi32>
      %gather3A_512 = tpu.dynamic_gather %add3A_150[%gather3A_511] in [0] : vector<16xi32>, vector<16xi32> -> vector<16xi32>
      %add3A_513 = arith.constant 512 : i32
      %add3A_514 = arith.addi %mul3A_152, %add3A_513 : i32
      %add3A_515 = arith.constant 0 : i32
      %add3A_516 = arith.addi %add3A_514, %add3A_515 : i32
      %add3A_517 = arith.addi %gather3A_502, %add3A_11 : vector<16xi32>
      %gather3A_518 = tpu.vector_load_idx %arg6[%add3A_517] : memref<2304xf32, #tpu.memory_space<vmem>>[vector<16xi32>], vector<16xf32>,
      %add3A_519 = arith.constant 512 : i32
      %add3A_520 = arith.addi %mul3A_152, %add3A_519 : i32
      %add3A_521 = arith.constant 64 : i32
      %add3A_522 = arith.addi %add3A_520, %add3A_521 : i32
      %add3A_523 = arith.constant 0 : i32
      %add3A_524 = arith.addi %add3A_522, %add3A_523 : i32
      %add3A_525 = arith.addi %gather3A_512, %add3A_11 : vector<16xi32>
      %gather3A_526 = tpu.vector_load_idx %arg6[%add3A_525] : memref<2304xf32, #tpu.memory_space<vmem>>[vector<16xi32>], vector<16xf32>,
      %swap3A_527 = arith.index_cast %add3A_368 : i32 to index
      %swap3A_528 = tpu.vector_load %arg9[%swap3A_527] {strides = array<i32>} : memref<65536xf32, #tpu.memory_space<vmem>>, vector<16xf32>,
      tpu.vector_store %arg9[%swap3A_527], %gather3A_370 {strides = array<i32>} : memref<65536xf32, #tpu.memory_space<vmem>>, vector<16xf32>,
      %swap3A_529 = arith.index_cast %add3A_376 : i32 to index
      %swap3A_530 = tpu.vector_load %arg9[%swap3A_529] {strides = array<i32>} : memref<65536xf32, #tpu.memory_space<vmem>>, vector<16xf32>,
      tpu.vector_store %arg9[%swap3A_529], %gather3A_378 {strides = array<i32>} : memref<65536xf32, #tpu.memory_space<vmem>>, vector<16xf32>,
      %add3A_531 = arith.constant 512 : i32
      %add3A_532 = arith.addi %mul3A_152, %add3A_531 : i32
      %add3A_533 = arith.constant 16 : i32
      %add3A_534 = arith.addi %add3A_532, %add3A_533 : i32
      %add3A_535 = arith.addi %gather3A_502, %add3A_14 : vector<16xi32>
      %gather3A_536 = tpu.vector_load_idx %arg6[%add3A_535] : memref<2304xf32, #tpu.memory_space<vmem>>[vector<16xi32>], vector<16xf32>,
      %add3A_537 = arith.constant 512 : i32
      %add3A_538 = arith.addi %mul3A_152, %add3A_537 : i32
      %add3A_539 = arith.constant 64 : i32
      %add3A_540 = arith.addi %add3A_538, %add3A_539 : i32
      %add3A_541 = arith.constant 16 : i32
      %add3A_542 = arith.addi %add3A_540, %add3A_541 : i32
      %add3A_543 = arith.addi %gather3A_512, %add3A_14 : vector<16xi32>
      %gather3A_544 = tpu.vector_load_idx %arg6[%add3A_543] : memref<2304xf32, #tpu.memory_space<vmem>>[vector<16xi32>], vector<16xf32>,
      %swap3A_545 = arith.index_cast %add3A_386 : i32 to index
      %swap3A_546 = tpu.vector_load %arg9[%swap3A_545] {strides = array<i32>} : memref<65536xf32, #tpu.memory_space<vmem>>, vector<16xf32>,
      tpu.vector_store %arg9[%swap3A_545], %gather3A_388 {strides = array<i32>} : memref<65536xf32, #tpu.memory_space<vmem>>, vector<16xf32>,
      %swap3A_547 = arith.index_cast %add3A_394 : i32 to index
      %swap3A_548 = tpu.vector_load %arg9[%swap3A_547] {strides = array<i32>} : memref<65536xf32, #tpu.memory_space<vmem>>, vector<16xf32>,
      tpu.vector_store %arg9[%swap3A_547], %gather3A_396 {strides = array<i32>} : memref<65536xf32, #tpu.memory_space<vmem>>, vector<16xf32>,
      %add3A_549 = arith.constant 512 : i32
      %add3A_550 = arith.addi %mul3A_152, %add3A_549 : i32
      %add3A_551 = arith.constant 32 : i32
      %add3A_552 = arith.addi %add3A_550, %add3A_551 : i32
      %add3A_553 = arith.addi %gather3A_502, %add3A_17 : vector<16xi32>
      %gather3A_554 = tpu.vector_load_idx %arg6[%add3A_553] : memref<2304xf32, #tpu.memory_space<vmem>>[vector<16xi32>], vector<16xf32>,
      %add3A_555 = arith.constant 512 : i32
      %add3A_556 = arith.addi %mul3A_152, %add3A_555 : i32
      %add3A_557 = arith.constant 64 : i32
      %add3A_558 = arith.addi %add3A_556, %add3A_557 : i32
      %add3A_559 = arith.constant 32 : i32
      %add3A_560 = arith.addi %add3A_558, %add3A_559 : i32
      %add3A_561 = arith.addi %gather3A_512, %add3A_17 : vector<16xi32>
      %gather3A_562 = tpu.vector_load_idx %arg6[%add3A_561] : memref<2304xf32, #tpu.memory_space<vmem>>[vector<16xi32>], vector<16xf32>,
      %swap3A_563 = arith.index_cast %add3A_424 : i32 to index
      %swap3A_564 = tpu.vector_load %arg9[%swap3A_563] {strides = array<i32>} : memref<65536xf32, #tpu.memory_space<vmem>>, vector<16xf32>,
      tpu.vector_store %arg9[%swap3A_563], %gather3A_426 {strides = array<i32>} : memref<65536xf32, #tpu.memory_space<vmem>>, vector<16xf32>,
      %swap3A_565 = arith.index_cast %add3A_432 : i32 to index
      %swap3A_566 = tpu.vector_load %arg9[%swap3A_565] {strides = array<i32>} : memref<65536xf32, #tpu.memory_space<vmem>>, vector<16xf32>,
      tpu.vector_store %arg9[%swap3A_565], %gather3A_434 {strides = array<i32>} : memref<65536xf32, #tpu.memory_space<vmem>>, vector<16xf32>,
      %add3A_567 = arith.constant 512 : i32
      %add3A_568 = arith.addi %mul3A_152, %add3A_567 : i32
      %add3A_569 = arith.constant 48 : i32
      %add3A_570 = arith.addi %add3A_568, %add3A_569 : i32
      %add3A_571 = arith.addi %gather3A_502, %add3A_20 : vector<16xi32>
      %gather3A_572 = tpu.vector_load_idx %arg6[%add3A_571] : memref<2304xf32, #tpu.memory_space<vmem>>[vector<16xi32>], vector<16xf32>,
      %add3A_573 = arith.constant 512 : i32
      %add3A_574 = arith.addi %mul3A_152, %add3A_573 : i32
      %add3A_575 = arith.constant 64 : i32
      %add3A_576 = arith.addi %add3A_574, %add3A_575 : i32
      %add3A_577 = arith.constant 48 : i32
      %add3A_578 = arith.addi %add3A_576, %add3A_577 : i32
      %add3A_579 = arith.addi %gather3A_512, %add3A_20 : vector<16xi32>
      %gather3A_580 = tpu.vector_load_idx %arg6[%add3A_579] : memref<2304xf32, #tpu.memory_space<vmem>>[vector<16xi32>], vector<16xf32>,
      %swap3A_581 = arith.index_cast %add3A_442 : i32 to index
      %swap3A_582 = tpu.vector_load %arg9[%swap3A_581] {strides = array<i32>} : memref<65536xf32, #tpu.memory_space<vmem>>, vector<16xf32>,
      tpu.vector_store %arg9[%swap3A_581], %gather3A_444 {strides = array<i32>} : memref<65536xf32, #tpu.memory_space<vmem>>, vector<16xf32>,
      %swap3A_583 = arith.index_cast %add3A_450 : i32 to index
      %swap3A_584 = tpu.vector_load %arg9[%swap3A_583] {strides = array<i32>} : memref<65536xf32, #tpu.memory_space<vmem>>, vector<16xf32>,
      tpu.vector_store %arg9[%swap3A_583], %gather3A_452 {strides = array<i32>} : memref<65536xf32, #tpu.memory_space<vmem>>, vector<16xf32>,
      %lt3A_585 = arith.constant 0 : i32
      %lt3A_586 = vector.broadcast %lt3A_585 : i32 to vector<16xi32>
      %lt3A_587 = arith.cmpi slt, %broadcast_in_dim3A_31, %lt3A_586 : vector<16xi32>
      %add3A_588 = arith.constant 16 : i32
      %add3A_589 = vector.broadcast %add3A_588 : i32 to vector<16xi32>
      %add3A_590 = arith.addi %broadcast_in_dim3A_31, %add3A_589 : vector<16xi32>
      %select_n3A_591 = arith.select %lt3A_587, %add3A_590, %broadcast_in_dim3A_31 : vector<16xi1>, vector<16xi32>
      %broadcast_in_dim3A_592 = vector.shape_cast %select_n3A_591 : vector<16xi32> to vector<16x1xi32>
      %gather3A_593 = vector.shape_cast %broadcast_in_dim3A_592 : vector<16x1xi32> to vector<16xi32>
      %gather3A_594 = tpu.dynamic_gather %mul3A_140[%gather3A_593] in [0] : vector<16xi32>, vector<16xi32> -> vector<16xi32>
      %lt3A_595 = arith.constant 0 : i32
      %lt3A_596 = vector.broadcast %lt3A_595 : i32 to vector<16xi32>
      %lt3A_597 = arith.cmpi slt, %broadcast_in_dim3A_31, %lt3A_596 : vector<16xi32>
      %add3A_598 = arith.constant 16 : i32
      %add3A_599 = vector.broadcast %add3A_598 : i32 to vector<16xi32>
      %add3A_600 = arith.addi %broadcast_in_dim3A_31, %add3A_599 : vector<16xi32>
      %select_n3A_601 = arith.select %lt3A_597, %add3A_600, %broadcast_in_dim3A_31 : vector<16xi1>, vector<16xi32>
      %broadcast_in_dim3A_602 = vector.shape_cast %select_n3A_601 : vector<16xi32> to vector<16x1xi32>
      %gather3A_603 = vector.shape_cast %broadcast_in_dim3A_602 : vector<16x1xi32> to vector<16xi32>
      %gather3A_604 = tpu.dynamic_gather %add3A_150[%gather3A_603] in [0] : vector<16xi32>, vector<16xi32> -> vector<16xi32>
      %add3A_605 = arith.constant 640 : i32
      %add3A_606 = arith.addi %mul3A_152, %add3A_605 : i32
      %add3A_607 = arith.constant 0 : i32
      %add3A_608 = arith.addi %add3A_606, %add3A_607 : i32
      %add3A_609 = arith.addi %gather3A_594, %add3A_11 : vector<16xi32>
      %gather3A_610 = tpu.vector_load_idx %arg6[%add3A_609] : memref<2304xf32, #tpu.memory_space<vmem>>[vector<16xi32>], vector<16xf32>,
      %add3A_611 = arith.constant 640 : i32
      %add3A_612 = arith.addi %mul3A_152, %add3A_611 : i32
      %add3A_613 = arith.constant 64 : i32
      %add3A_614 = arith.addi %add3A_612, %add3A_613 : i32
      %add3A_615 = arith.constant 0 : i32
      %add3A_616 = arith.addi %add3A_614, %add3A_615 : i32
      %add3A_617 = arith.addi %gather3A_604, %add3A_11 : vector<16xi32>
      %gather3A_618 = tpu.vector_load_idx %arg6[%add3A_617] : memref<2304xf32, #tpu.memory_space<vmem>>[vector<16xi32>], vector<16xf32>,
      %swap3A_619 = arith.index_cast %add3A_460 : i32 to index
      %swap3A_620 = tpu.vector_load %arg9[%swap3A_619] {strides = array<i32>} : memref<65536xf32, #tpu.memory_space<vmem>>, vector<16xf32>,
      tpu.vector_store %arg9[%swap3A_619], %gather3A_462 {strides = array<i32>} : memref<65536xf32, #tpu.memory_space<vmem>>, vector<16xf32>,
      %swap3A_621 = arith.index_cast %add3A_468 : i32 to index
      %swap3A_622 = tpu.vector_load %arg9[%swap3A_621] {strides = array<i32>} : memref<65536xf32, #tpu.memory_space<vmem>>, vector<16xf32>,
      tpu.vector_store %arg9[%swap3A_621], %gather3A_470 {strides = array<i32>} : memref<65536xf32, #tpu.memory_space<vmem>>, vector<16xf32>,
      %add3A_623 = arith.constant 640 : i32
      %add3A_624 = arith.addi %mul3A_152, %add3A_623 : i32
      %add3A_625 = arith.constant 16 : i32
      %add3A_626 = arith.addi %add3A_624, %add3A_625 : i32
      %add3A_627 = arith.addi %gather3A_594, %add3A_14 : vector<16xi32>
      %gather3A_628 = tpu.vector_load_idx %arg6[%add3A_627] : memref<2304xf32, #tpu.memory_space<vmem>>[vector<16xi32>], vector<16xf32>,
      %add3A_629 = arith.constant 640 : i32
      %add3A_630 = arith.addi %mul3A_152, %add3A_629 : i32
      %add3A_631 = arith.constant 64 : i32
      %add3A_632 = arith.addi %add3A_630, %add3A_631 : i32
      %add3A_633 = arith.constant 16 : i32
      %add3A_634 = arith.addi %add3A_632, %add3A_633 : i32
      %add3A_635 = arith.addi %gather3A_604, %add3A_14 : vector<16xi32>
      %gather3A_636 = tpu.vector_load_idx %arg6[%add3A_635] : memref<2304xf32, #tpu.memory_space<vmem>>[vector<16xi32>], vector<16xf32>,
      %swap3A_637 = arith.index_cast %add3A_478 : i32 to index
      %swap3A_638 = tpu.vector_load %arg9[%swap3A_637] {strides = array<i32>} : memref<65536xf32, #tpu.memory_space<vmem>>, vector<16xf32>,
      tpu.vector_store %arg9[%swap3A_637], %gather3A_480 {strides = array<i32>} : memref<65536xf32, #tpu.memory_space<vmem>>, vector<16xf32>,
      %swap3A_639 = arith.index_cast %add3A_486 : i32 to index
      %swap3A_640 = tpu.vector_load %arg9[%swap3A_639] {strides = array<i32>} : memref<65536xf32, #tpu.memory_space<vmem>>, vector<16xf32>,
      tpu.vector_store %arg9[%swap3A_639], %gather3A_488 {strides = array<i32>} : memref<65536xf32, #tpu.memory_space<vmem>>, vector<16xf32>,
      %add3A_641 = arith.constant 640 : i32
      %add3A_642 = arith.addi %mul3A_152, %add3A_641 : i32
      %add3A_643 = arith.constant 32 : i32
      %add3A_644 = arith.addi %add3A_642, %add3A_643 : i32
      %add3A_645 = arith.addi %gather3A_594, %add3A_17 : vector<16xi32>
      %gather3A_646 = tpu.vector_load_idx %arg6[%add3A_645] : memref<2304xf32, #tpu.memory_space<vmem>>[vector<16xi32>], vector<16xf32>,
      %add3A_647 = arith.constant 640 : i32
      %add3A_648 = arith.addi %mul3A_152, %add3A_647 : i32
      %add3A_649 = arith.constant 64 : i32
      %add3A_650 = arith.addi %add3A_648, %add3A_649 : i32
      %add3A_651 = arith.constant 32 : i32
      %add3A_652 = arith.addi %add3A_650, %add3A_651 : i32
      %add3A_653 = arith.addi %gather3A_604, %add3A_17 : vector<16xi32>
      %gather3A_654 = tpu.vector_load_idx %arg6[%add3A_653] : memref<2304xf32, #tpu.memory_space<vmem>>[vector<16xi32>], vector<16xf32>,
      %swap3A_655 = arith.index_cast %add3A_516 : i32 to index
      %swap3A_656 = tpu.vector_load %arg9[%swap3A_655] {strides = array<i32>} : memref<65536xf32, #tpu.memory_space<vmem>>, vector<16xf32>,
      tpu.vector_store %arg9[%swap3A_655], %gather3A_518 {strides = array<i32>} : memref<65536xf32, #tpu.memory_space<vmem>>, vector<16xf32>,
      %swap3A_657 = arith.index_cast %add3A_524 : i32 to index
      %swap3A_658 = tpu.vector_load %arg9[%swap3A_657] {strides = array<i32>} : memref<65536xf32, #tpu.memory_space<vmem>>, vector<16xf32>,
      tpu.vector_store %arg9[%swap3A_657], %gather3A_526 {strides = array<i32>} : memref<65536xf32, #tpu.memory_space<vmem>>, vector<16xf32>,
      %add3A_659 = arith.constant 640 : i32
      %add3A_660 = arith.addi %mul3A_152, %add3A_659 : i32
      %add3A_661 = arith.constant 48 : i32
      %add3A_662 = arith.addi %add3A_660, %add3A_661 : i32
      %add3A_663 = arith.addi %gather3A_594, %add3A_20 : vector<16xi32>
      %gather3A_664 = tpu.vector_load_idx %arg6[%add3A_663] : memref<2304xf32, #tpu.memory_space<vmem>>[vector<16xi32>], vector<16xf32>,
      %add3A_665 = arith.constant 640 : i32
      %add3A_666 = arith.addi %mul3A_152, %add3A_665 : i32
      %add3A_667 = arith.constant 64 : i32
      %add3A_668 = arith.addi %add3A_666, %add3A_667 : i32
      %add3A_669 = arith.constant 48 : i32
      %add3A_670 = arith.addi %add3A_668, %add3A_669 : i32
      %add3A_671 = arith.addi %gather3A_604, %add3A_20 : vector<16xi32>
      %gather3A_672 = tpu.vector_load_idx %arg6[%add3A_671] : memref<2304xf32, #tpu.memory_space<vmem>>[vector<16xi32>], vector<16xf32>,
      %swap3A_673 = arith.index_cast %add3A_534 : i32 to index
      %swap3A_674 = tpu.vector_load %arg9[%swap3A_673] {strides = array<i32>} : memref<65536xf32, #tpu.memory_space<vmem>>, vector<16xf32>,
      tpu.vector_store %arg9[%swap3A_673], %gather3A_536 {strides = array<i32>} : memref<65536xf32, #tpu.memory_space<vmem>>, vector<16xf32>,
      %swap3A_675 = arith.index_cast %add3A_542 : i32 to index
      %swap3A_676 = tpu.vector_load %arg9[%swap3A_675] {strides = array<i32>} : memref<65536xf32, #tpu.memory_space<vmem>>, vector<16xf32>,
      tpu.vector_store %arg9[%swap3A_675], %gather3A_544 {strides = array<i32>} : memref<65536xf32, #tpu.memory_space<vmem>>, vector<16xf32>,
      %lt3A_677 = arith.constant 0 : i32
      %lt3A_678 = vector.broadcast %lt3A_677 : i32 to vector<16xi32>
      %lt3A_679 = arith.cmpi slt, %broadcast_in_dim3A_33, %lt3A_678 : vector<16xi32>
      %add3A_680 = arith.constant 16 : i32
      %add3A_681 = vector.broadcast %add3A_680 : i32 to vector<16xi32>
      %add3A_682 = arith.addi %broadcast_in_dim3A_33, %add3A_681 : vector<16xi32>
      %select_n3A_683 = arith.select %lt3A_679, %add3A_682, %broadcast_in_dim3A_33 : vector<16xi1>, vector<16xi32>
      %broadcast_in_dim3A_684 = vector.shape_cast %select_n3A_683 : vector<16xi32> to vector<16x1xi32>
      %gather3A_685 = vector.shape_cast %broadcast_in_dim3A_684 : vector<16x1xi32> to vector<16xi32>
      %gather3A_686 = tpu.dynamic_gather %mul3A_140[%gather3A_685] in [0] : vector<16xi32>, vector<16xi32> -> vector<16xi32>
      %lt3A_687 = arith.constant 0 : i32
      %lt3A_688 = vector.broadcast %lt3A_687 : i32 to vector<16xi32>
      %lt3A_689 = arith.cmpi slt, %broadcast_in_dim3A_33, %lt3A_688 : vector<16xi32>
      %add3A_690 = arith.constant 16 : i32
      %add3A_691 = vector.broadcast %add3A_690 : i32 to vector<16xi32>
      %add3A_692 = arith.addi %broadcast_in_dim3A_33, %add3A_691 : vector<16xi32>
      %select_n3A_693 = arith.select %lt3A_689, %add3A_692, %broadcast_in_dim3A_33 : vector<16xi1>, vector<16xi32>
      %broadcast_in_dim3A_694 = vector.shape_cast %select_n3A_693 : vector<16xi32> to vector<16x1xi32>
      %gather3A_695 = vector.shape_cast %broadcast_in_dim3A_694 : vector<16x1xi32> to vector<16xi32>
      %gather3A_696 = tpu.dynamic_gather %add3A_150[%gather3A_695] in [0] : vector<16xi32>, vector<16xi32> -> vector<16xi32>
      %add3A_697 = arith.constant 768 : i32
      %add3A_698 = arith.addi %mul3A_152, %add3A_697 : i32
      %add3A_699 = arith.constant 0 : i32
      %add3A_700 = arith.addi %add3A_698, %add3A_699 : i32
      %add3A_701 = arith.addi %gather3A_686, %add3A_11 : vector<16xi32>
      %gather3A_702 = tpu.vector_load_idx %arg6[%add3A_701] : memref<2304xf32, #tpu.memory_space<vmem>>[vector<16xi32>], vector<16xf32>,
      %add3A_703 = arith.constant 768 : i32
      %add3A_704 = arith.addi %mul3A_152, %add3A_703 : i32
      %add3A_705 = arith.constant 64 : i32
      %add3A_706 = arith.addi %add3A_704, %add3A_705 : i32
      %add3A_707 = arith.constant 0 : i32
      %add3A_708 = arith.addi %add3A_706, %add3A_707 : i32
      %add3A_709 = arith.addi %gather3A_696, %add3A_11 : vector<16xi32>
      %gather3A_710 = tpu.vector_load_idx %arg6[%add3A_709] : memref<2304xf32, #tpu.memory_space<vmem>>[vector<16xi32>], vector<16xf32>,
      %swap3A_711 = arith.index_cast %add3A_552 : i32 to index
      %swap3A_712 = tpu.vector_load %arg9[%swap3A_711] {strides = array<i32>} : memref<65536xf32, #tpu.memory_space<vmem>>, vector<16xf32>,
      tpu.vector_store %arg9[%swap3A_711], %gather3A_554 {strides = array<i32>} : memref<65536xf32, #tpu.memory_space<vmem>>, vector<16xf32>,
      %swap3A_713 = arith.index_cast %add3A_560 : i32 to index
      %swap3A_714 = tpu.vector_load %arg9[%swap3A_713] {strides = array<i32>} : memref<65536xf32, #tpu.memory_space<vmem>>, vector<16xf32>,
      tpu.vector_store %arg9[%swap3A_713], %gather3A_562 {strides = array<i32>} : memref<65536xf32, #tpu.memory_space<vmem>>, vector<16xf32>,
      %add3A_715 = arith.constant 768 : i32
      %add3A_716 = arith.addi %mul3A_152, %add3A_715 : i32
      %add3A_717 = arith.constant 16 : i32
      %add3A_718 = arith.addi %add3A_716, %add3A_717 : i32
      %add3A_719 = arith.addi %gather3A_686, %add3A_14 : vector<16xi32>
      %gather3A_720 = tpu.vector_load_idx %arg6[%add3A_719] : memref<2304xf32, #tpu.memory_space<vmem>>[vector<16xi32>], vector<16xf32>,
      %add3A_721 = arith.constant 768 : i32
      %add3A_722 = arith.addi %mul3A_152, %add3A_721 : i32
      %add3A_723 = arith.constant 64 : i32
      %add3A_724 = arith.addi %add3A_722, %add3A_723 : i32
      %add3A_725 = arith.constant 16 : i32
      %add3A_726 = arith.addi %add3A_724, %add3A_725 : i32
      %add3A_727 = arith.addi %gather3A_696, %add3A_14 : vector<16xi32>
      %gather3A_728 = tpu.vector_load_idx %arg6[%add3A_727] : memref<2304xf32, #tpu.memory_space<vmem>>[vector<16xi32>], vector<16xf32>,
      %swap3A_729 = arith.index_cast %add3A_570 : i32 to index
      %swap3A_730 = tpu.vector_load %arg9[%swap3A_729] {strides = array<i32>} : memref<65536xf32, #tpu.memory_space<vmem>>, vector<16xf32>,
      tpu.vector_store %arg9[%swap3A_729], %gather3A_572 {strides = array<i32>} : memref<65536xf32, #tpu.memory_space<vmem>>, vector<16xf32>,
      %swap3A_731 = arith.index_cast %add3A_578 : i32 to index
      %swap3A_732 = tpu.vector_load %arg9[%swap3A_731] {strides = array<i32>} : memref<65536xf32, #tpu.memory_space<vmem>>, vector<16xf32>,
      tpu.vector_store %arg9[%swap3A_731], %gather3A_580 {strides = array<i32>} : memref<65536xf32, #tpu.memory_space<vmem>>, vector<16xf32>,
      %add3A_733 = arith.constant 768 : i32
      %add3A_734 = arith.addi %mul3A_152, %add3A_733 : i32
      %add3A_735 = arith.constant 32 : i32
      %add3A_736 = arith.addi %add3A_734, %add3A_735 : i32
      %add3A_737 = arith.addi %gather3A_686, %add3A_17 : vector<16xi32>
      %gather3A_738 = tpu.vector_load_idx %arg6[%add3A_737] : memref<2304xf32, #tpu.memory_space<vmem>>[vector<16xi32>], vector<16xf32>,
      %add3A_739 = arith.constant 768 : i32
      %add3A_740 = arith.addi %mul3A_152, %add3A_739 : i32
      %add3A_741 = arith.constant 64 : i32
      %add3A_742 = arith.addi %add3A_740, %add3A_741 : i32
      %add3A_743 = arith.constant 32 : i32
      %add3A_744 = arith.addi %add3A_742, %add3A_743 : i32
      %add3A_745 = arith.addi %gather3A_696, %add3A_17 : vector<16xi32>
      %gather3A_746 = tpu.vector_load_idx %arg6[%add3A_745] : memref<2304xf32, #tpu.memory_space<vmem>>[vector<16xi32>], vector<16xf32>,
      %swap3A_747 = arith.index_cast %add3A_608 : i32 to index
      %swap3A_748 = tpu.vector_load %arg9[%swap3A_747] {strides = array<i32>} : memref<65536xf32, #tpu.memory_space<vmem>>, vector<16xf32>,
      tpu.vector_store %arg9[%swap3A_747], %gather3A_610 {strides = array<i32>} : memref<65536xf32, #tpu.memory_space<vmem>>, vector<16xf32>,
      %swap3A_749 = arith.index_cast %add3A_616 : i32 to index
      %swap3A_750 = tpu.vector_load %arg9[%swap3A_749] {strides = array<i32>} : memref<65536xf32, #tpu.memory_space<vmem>>, vector<16xf32>,
      tpu.vector_store %arg9[%swap3A_749], %gather3A_618 {strides = array<i32>} : memref<65536xf32, #tpu.memory_space<vmem>>, vector<16xf32>,
      %add3A_751 = arith.constant 768 : i32
      %add3A_752 = arith.addi %mul3A_152, %add3A_751 : i32
      %add3A_753 = arith.constant 48 : i32
      %add3A_754 = arith.addi %add3A_752, %add3A_753 : i32
      %add3A_755 = arith.addi %gather3A_686, %add3A_20 : vector<16xi32>
      %gather3A_756 = tpu.vector_load_idx %arg6[%add3A_755] : memref<2304xf32, #tpu.memory_space<vmem>>[vector<16xi32>], vector<16xf32>,
      %add3A_757 = arith.constant 768 : i32
      %add3A_758 = arith.addi %mul3A_152, %add3A_757 : i32
      %add3A_759 = arith.constant 64 : i32
      %add3A_760 = arith.addi %add3A_758, %add3A_759 : i32
      %add3A_761 = arith.constant 48 : i32
      %add3A_762 = arith.addi %add3A_760, %add3A_761 : i32
      %add3A_763 = arith.addi %gather3A_696, %add3A_20 : vector<16xi32>
      %gather3A_764 = tpu.vector_load_idx %arg6[%add3A_763] : memref<2304xf32, #tpu.memory_space<vmem>>[vector<16xi32>], vector<16xf32>,
      %swap3A_765 = arith.index_cast %add3A_626 : i32 to index
      %swap3A_766 = tpu.vector_load %arg9[%swap3A_765] {strides = array<i32>} : memref<65536xf32, #tpu.memory_space<vmem>>, vector<16xf32>,
      tpu.vector_store %arg9[%swap3A_765], %gather3A_628 {strides = array<i32>} : memref<65536xf32, #tpu.memory_space<vmem>>, vector<16xf32>,
      %swap3A_767 = arith.index_cast %add3A_634 : i32 to index
      %swap3A_768 = tpu.vector_load %arg9[%swap3A_767] {strides = array<i32>} : memref<65536xf32, #tpu.memory_space<vmem>>, vector<16xf32>,
      tpu.vector_store %arg9[%swap3A_767], %gather3A_636 {strides = array<i32>} : memref<65536xf32, #tpu.memory_space<vmem>>, vector<16xf32>,
      %lt3A_769 = arith.constant 0 : i32
      %lt3A_770 = vector.broadcast %lt3A_769 : i32 to vector<16xi32>
      %lt3A_771 = arith.cmpi slt, %broadcast_in_dim3A_35, %lt3A_770 : vector<16xi32>
      %add3A_772 = arith.constant 16 : i32
      %add3A_773 = vector.broadcast %add3A_772 : i32 to vector<16xi32>
      %add3A_774 = arith.addi %broadcast_in_dim3A_35, %add3A_773 : vector<16xi32>
      %select_n3A_775 = arith.select %lt3A_771, %add3A_774, %broadcast_in_dim3A_35 : vector<16xi1>, vector<16xi32>
      %broadcast_in_dim3A_776 = vector.shape_cast %select_n3A_775 : vector<16xi32> to vector<16x1xi32>
      %gather3A_777 = vector.shape_cast %broadcast_in_dim3A_776 : vector<16x1xi32> to vector<16xi32>
      %gather3A_778 = tpu.dynamic_gather %mul3A_140[%gather3A_777] in [0] : vector<16xi32>, vector<16xi32> -> vector<16xi32>
      %lt3A_779 = arith.constant 0 : i32
      %lt3A_780 = vector.broadcast %lt3A_779 : i32 to vector<16xi32>
      %lt3A_781 = arith.cmpi slt, %broadcast_in_dim3A_35, %lt3A_780 : vector<16xi32>
      %add3A_782 = arith.constant 16 : i32
      %add3A_783 = vector.broadcast %add3A_782 : i32 to vector<16xi32>
      %add3A_784 = arith.addi %broadcast_in_dim3A_35, %add3A_783 : vector<16xi32>
      %select_n3A_785 = arith.select %lt3A_781, %add3A_784, %broadcast_in_dim3A_35 : vector<16xi1>, vector<16xi32>
      %broadcast_in_dim3A_786 = vector.shape_cast %select_n3A_785 : vector<16xi32> to vector<16x1xi32>
      %gather3A_787 = vector.shape_cast %broadcast_in_dim3A_786 : vector<16x1xi32> to vector<16xi32>
      %gather3A_788 = tpu.dynamic_gather %add3A_150[%gather3A_787] in [0] : vector<16xi32>, vector<16xi32> -> vector<16xi32>
      %add3A_789 = arith.constant 896 : i32
      %add3A_790 = arith.addi %mul3A_152, %add3A_789 : i32
      %add3A_791 = arith.constant 0 : i32
      %add3A_792 = arith.addi %add3A_790, %add3A_791 : i32
      %add3A_793 = arith.addi %gather3A_778, %add3A_11 : vector<16xi32>
      %gather3A_794 = tpu.vector_load_idx %arg6[%add3A_793] : memref<2304xf32, #tpu.memory_space<vmem>>[vector<16xi32>], vector<16xf32>,
      %add3A_795 = arith.constant 896 : i32
      %add3A_796 = arith.addi %mul3A_152, %add3A_795 : i32
      %add3A_797 = arith.constant 64 : i32
      %add3A_798 = arith.addi %add3A_796, %add3A_797 : i32
      %add3A_799 = arith.constant 0 : i32
      %add3A_800 = arith.addi %add3A_798, %add3A_799 : i32
      %add3A_801 = arith.addi %gather3A_788, %add3A_11 : vector<16xi32>
      %gather3A_802 = tpu.vector_load_idx %arg6[%add3A_801] : memref<2304xf32, #tpu.memory_space<vmem>>[vector<16xi32>], vector<16xf32>,
      %swap3A_803 = arith.index_cast %add3A_644 : i32 to index
      %swap3A_804 = tpu.vector_load %arg9[%swap3A_803] {strides = array<i32>} : memref<65536xf32, #tpu.memory_space<vmem>>, vector<16xf32>,
      tpu.vector_store %arg9[%swap3A_803], %gather3A_646 {strides = array<i32>} : memref<65536xf32, #tpu.memory_space<vmem>>, vector<16xf32>,
      %swap3A_805 = arith.index_cast %add3A_652 : i32 to index
      %swap3A_806 = tpu.vector_load %arg9[%swap3A_805] {strides = array<i32>} : memref<65536xf32, #tpu.memory_space<vmem>>, vector<16xf32>,
      tpu.vector_store %arg9[%swap3A_805], %gather3A_654 {strides = array<i32>} : memref<65536xf32, #tpu.memory_space<vmem>>, vector<16xf32>,
      %add3A_807 = arith.constant 896 : i32
      %add3A_808 = arith.addi %mul3A_152, %add3A_807 : i32
      %add3A_809 = arith.constant 16 : i32
      %add3A_810 = arith.addi %add3A_808, %add3A_809 : i32
      %add3A_811 = arith.addi %gather3A_778, %add3A_14 : vector<16xi32>
      %gather3A_812 = tpu.vector_load_idx %arg6[%add3A_811] : memref<2304xf32, #tpu.memory_space<vmem>>[vector<16xi32>], vector<16xf32>,
      %add3A_813 = arith.constant 896 : i32
      %add3A_814 = arith.addi %mul3A_152, %add3A_813 : i32
      %add3A_815 = arith.constant 64 : i32
      %add3A_816 = arith.addi %add3A_814, %add3A_815 : i32
      %add3A_817 = arith.constant 16 : i32
      %add3A_818 = arith.addi %add3A_816, %add3A_817 : i32
      %add3A_819 = arith.addi %gather3A_788, %add3A_14 : vector<16xi32>
      %gather3A_820 = tpu.vector_load_idx %arg6[%add3A_819] : memref<2304xf32, #tpu.memory_space<vmem>>[vector<16xi32>], vector<16xf32>,
      %swap3A_821 = arith.index_cast %add3A_662 : i32 to index
      %swap3A_822 = tpu.vector_load %arg9[%swap3A_821] {strides = array<i32>} : memref<65536xf32, #tpu.memory_space<vmem>>, vector<16xf32>,
      tpu.vector_store %arg9[%swap3A_821], %gather3A_664 {strides = array<i32>} : memref<65536xf32, #tpu.memory_space<vmem>>, vector<16xf32>,
      %swap3A_823 = arith.index_cast %add3A_670 : i32 to index
      %swap3A_824 = tpu.vector_load %arg9[%swap3A_823] {strides = array<i32>} : memref<65536xf32, #tpu.memory_space<vmem>>, vector<16xf32>,
      tpu.vector_store %arg9[%swap3A_823], %gather3A_672 {strides = array<i32>} : memref<65536xf32, #tpu.memory_space<vmem>>, vector<16xf32>,
      %add3A_825 = arith.constant 896 : i32
      %add3A_826 = arith.addi %mul3A_152, %add3A_825 : i32
      %add3A_827 = arith.constant 32 : i32
      %add3A_828 = arith.addi %add3A_826, %add3A_827 : i32
      %add3A_829 = arith.addi %gather3A_778, %add3A_17 : vector<16xi32>
      %gather3A_830 = tpu.vector_load_idx %arg6[%add3A_829] : memref<2304xf32, #tpu.memory_space<vmem>>[vector<16xi32>], vector<16xf32>,
      %add3A_831 = arith.constant 896 : i32
      %add3A_832 = arith.addi %mul3A_152, %add3A_831 : i32
      %add3A_833 = arith.constant 64 : i32
      %add3A_834 = arith.addi %add3A_832, %add3A_833 : i32
      %add3A_835 = arith.constant 32 : i32
      %add3A_836 = arith.addi %add3A_834, %add3A_835 : i32
      %add3A_837 = arith.addi %gather3A_788, %add3A_17 : vector<16xi32>
      %gather3A_838 = tpu.vector_load_idx %arg6[%add3A_837] : memref<2304xf32, #tpu.memory_space<vmem>>[vector<16xi32>], vector<16xf32>,
      %swap3A_839 = arith.index_cast %add3A_700 : i32 to index
      %swap3A_840 = tpu.vector_load %arg9[%swap3A_839] {strides = array<i32>} : memref<65536xf32, #tpu.memory_space<vmem>>, vector<16xf32>,
      tpu.vector_store %arg9[%swap3A_839], %gather3A_702 {strides = array<i32>} : memref<65536xf32, #tpu.memory_space<vmem>>, vector<16xf32>,
      %swap3A_841 = arith.index_cast %add3A_708 : i32 to index
      %swap3A_842 = tpu.vector_load %arg9[%swap3A_841] {strides = array<i32>} : memref<65536xf32, #tpu.memory_space<vmem>>, vector<16xf32>,
      tpu.vector_store %arg9[%swap3A_841], %gather3A_710 {strides = array<i32>} : memref<65536xf32, #tpu.memory_space<vmem>>, vector<16xf32>,
      %add3A_843 = arith.constant 896 : i32
      %add3A_844 = arith.addi %mul3A_152, %add3A_843 : i32
      %add3A_845 = arith.constant 48 : i32
      %add3A_846 = arith.addi %add3A_844, %add3A_845 : i32
      %add3A_847 = arith.addi %gather3A_778, %add3A_20 : vector<16xi32>
      %gather3A_848 = tpu.vector_load_idx %arg6[%add3A_847] : memref<2304xf32, #tpu.memory_space<vmem>>[vector<16xi32>], vector<16xf32>,
      %add3A_849 = arith.constant 896 : i32
      %add3A_850 = arith.addi %mul3A_152, %add3A_849 : i32
      %add3A_851 = arith.constant 64 : i32
      %add3A_852 = arith.addi %add3A_850, %add3A_851 : i32
      %add3A_853 = arith.constant 48 : i32
      %add3A_854 = arith.addi %add3A_852, %add3A_853 : i32
      %add3A_855 = arith.addi %gather3A_788, %add3A_20 : vector<16xi32>
      %gather3A_856 = tpu.vector_load_idx %arg6[%add3A_855] : memref<2304xf32, #tpu.memory_space<vmem>>[vector<16xi32>], vector<16xf32>,
      %swap3A_857 = arith.index_cast %add3A_718 : i32 to index
      %swap3A_858 = tpu.vector_load %arg9[%swap3A_857] {strides = array<i32>} : memref<65536xf32, #tpu.memory_space<vmem>>, vector<16xf32>,
      tpu.vector_store %arg9[%swap3A_857], %gather3A_720 {strides = array<i32>} : memref<65536xf32, #tpu.memory_space<vmem>>, vector<16xf32>,
      %swap3A_859 = arith.index_cast %add3A_726 : i32 to index
      %swap3A_860 = tpu.vector_load %arg9[%swap3A_859] {strides = array<i32>} : memref<65536xf32, #tpu.memory_space<vmem>>, vector<16xf32>,
      tpu.vector_store %arg9[%swap3A_859], %gather3A_728 {strides = array<i32>} : memref<65536xf32, #tpu.memory_space<vmem>>, vector<16xf32>,
      %lt3A_861 = arith.constant 0 : i32
      %lt3A_862 = vector.broadcast %lt3A_861 : i32 to vector<16xi32>
      %lt3A_863 = arith.cmpi slt, %broadcast_in_dim3A_37, %lt3A_862 : vector<16xi32>
      %add3A_864 = arith.constant 16 : i32
      %add3A_865 = vector.broadcast %add3A_864 : i32 to vector<16xi32>
      %add3A_866 = arith.addi %broadcast_in_dim3A_37, %add3A_865 : vector<16xi32>
      %select_n3A_867 = arith.select %lt3A_863, %add3A_866, %broadcast_in_dim3A_37 : vector<16xi1>, vector<16xi32>
      %broadcast_in_dim3A_868 = vector.shape_cast %select_n3A_867 : vector<16xi32> to vector<16x1xi32>
      %gather3A_869 = vector.shape_cast %broadcast_in_dim3A_868 : vector<16x1xi32> to vector<16xi32>
      %gather3A_870 = tpu.dynamic_gather %mul3A_140[%gather3A_869] in [0] : vector<16xi32>, vector<16xi32> -> vector<16xi32>
      %lt3A_871 = arith.constant 0 : i32
      %lt3A_872 = vector.broadcast %lt3A_871 : i32 to vector<16xi32>
      %lt3A_873 = arith.cmpi slt, %broadcast_in_dim3A_37, %lt3A_872 : vector<16xi32>
      %add3A_874 = arith.constant 16 : i32
      %add3A_875 = vector.broadcast %add3A_874 : i32 to vector<16xi32>
      %add3A_876 = arith.addi %broadcast_in_dim3A_37, %add3A_875 : vector<16xi32>
      %select_n3A_877 = arith.select %lt3A_873, %add3A_876, %broadcast_in_dim3A_37 : vector<16xi1>, vector<16xi32>
      %broadcast_in_dim3A_878 = vector.shape_cast %select_n3A_877 : vector<16xi32> to vector<16x1xi32>
      %gather3A_879 = vector.shape_cast %broadcast_in_dim3A_878 : vector<16x1xi32> to vector<16xi32>
      %gather3A_880 = tpu.dynamic_gather %add3A_150[%gather3A_879] in [0] : vector<16xi32>, vector<16xi32> -> vector<16xi32>
      %add3A_881 = arith.constant 1024 : i32
      %add3A_882 = arith.addi %mul3A_152, %add3A_881 : i32
      %add3A_883 = arith.constant 0 : i32
      %add3A_884 = arith.addi %add3A_882, %add3A_883 : i32
      %add3A_885 = arith.addi %gather3A_870, %add3A_11 : vector<16xi32>
      %gather3A_886 = tpu.vector_load_idx %arg6[%add3A_885] : memref<2304xf32, #tpu.memory_space<vmem>>[vector<16xi32>], vector<16xf32>,
      %add3A_887 = arith.constant 1024 : i32
      %add3A_888 = arith.addi %mul3A_152, %add3A_887 : i32
      %add3A_889 = arith.constant 64 : i32
      %add3A_890 = arith.addi %add3A_888, %add3A_889 : i32
      %add3A_891 = arith.constant 0 : i32
      %add3A_892 = arith.addi %add3A_890, %add3A_891 : i32
      %add3A_893 = arith.addi %gather3A_880, %add3A_11 : vector<16xi32>
      %gather3A_894 = tpu.vector_load_idx %arg6[%add3A_893] : memref<2304xf32, #tpu.memory_space<vmem>>[vector<16xi32>], vector<16xf32>,
      %swap3A_895 = arith.index_cast %add3A_736 : i32 to index
      %swap3A_896 = tpu.vector_load %arg9[%swap3A_895] {strides = array<i32>} : memref<65536xf32, #tpu.memory_space<vmem>>, vector<16xf32>,
      tpu.vector_store %arg9[%swap3A_895], %gather3A_738 {strides = array<i32>} : memref<65536xf32, #tpu.memory_space<vmem>>, vector<16xf32>,
      %swap3A_897 = arith.index_cast %add3A_744 : i32 to index
      %swap3A_898 = tpu.vector_load %arg9[%swap3A_897] {strides = array<i32>} : memref<65536xf32, #tpu.memory_space<vmem>>, vector<16xf32>,
      tpu.vector_store %arg9[%swap3A_897], %gather3A_746 {strides = array<i32>} : memref<65536xf32, #tpu.memory_space<vmem>>, vector<16xf32>,
      %add3A_899 = arith.constant 1024 : i32
      %add3A_900 = arith.addi %mul3A_152, %add3A_899 : i32
      %add3A_901 = arith.constant 16 : i32
      %add3A_902 = arith.addi %add3A_900, %add3A_901 : i32
      %add3A_903 = arith.addi %gather3A_870, %add3A_14 : vector<16xi32>
      %gather3A_904 = tpu.vector_load_idx %arg6[%add3A_903] : memref<2304xf32, #tpu.memory_space<vmem>>[vector<16xi32>], vector<16xf32>,
      %add3A_905 = arith.constant 1024 : i32
      %add3A_906 = arith.addi %mul3A_152, %add3A_905 : i32
      %add3A_907 = arith.constant 64 : i32
      %add3A_908 = arith.addi %add3A_906, %add3A_907 : i32
      %add3A_909 = arith.constant 16 : i32
      %add3A_910 = arith.addi %add3A_908, %add3A_909 : i32
      %add3A_911 = arith.addi %gather3A_880, %add3A_14 : vector<16xi32>
      %gather3A_912 = tpu.vector_load_idx %arg6[%add3A_911] : memref<2304xf32, #tpu.memory_space<vmem>>[vector<16xi32>], vector<16xf32>,
      %swap3A_913 = arith.index_cast %add3A_754 : i32 to index
      %swap3A_914 = tpu.vector_load %arg9[%swap3A_913] {strides = array<i32>} : memref<65536xf32, #tpu.memory_space<vmem>>, vector<16xf32>,
      tpu.vector_store %arg9[%swap3A_913], %gather3A_756 {strides = array<i32>} : memref<65536xf32, #tpu.memory_space<vmem>>, vector<16xf32>,
      %swap3A_915 = arith.index_cast %add3A_762 : i32 to index
      %swap3A_916 = tpu.vector_load %arg9[%swap3A_915] {strides = array<i32>} : memref<65536xf32, #tpu.memory_space<vmem>>, vector<16xf32>,
      tpu.vector_store %arg9[%swap3A_915], %gather3A_764 {strides = array<i32>} : memref<65536xf32, #tpu.memory_space<vmem>>, vector<16xf32>,
      %add3A_917 = arith.constant 1024 : i32
      %add3A_918 = arith.addi %mul3A_152, %add3A_917 : i32
      %add3A_919 = arith.constant 32 : i32
      %add3A_920 = arith.addi %add3A_918, %add3A_919 : i32
      %add3A_921 = arith.addi %gather3A_870, %add3A_17 : vector<16xi32>
      %gather3A_922 = tpu.vector_load_idx %arg6[%add3A_921] : memref<2304xf32, #tpu.memory_space<vmem>>[vector<16xi32>], vector<16xf32>,
      %add3A_923 = arith.constant 1024 : i32
      %add3A_924 = arith.addi %mul3A_152, %add3A_923 : i32
      %add3A_925 = arith.constant 64 : i32
      %add3A_926 = arith.addi %add3A_924, %add3A_925 : i32
      %add3A_927 = arith.constant 32 : i32
      %add3A_928 = arith.addi %add3A_926, %add3A_927 : i32
      %add3A_929 = arith.addi %gather3A_880, %add3A_17 : vector<16xi32>
      %gather3A_930 = tpu.vector_load_idx %arg6[%add3A_929] : memref<2304xf32, #tpu.memory_space<vmem>>[vector<16xi32>], vector<16xf32>,
      %swap3A_931 = arith.index_cast %add3A_792 : i32 to index
      %swap3A_932 = tpu.vector_load %arg9[%swap3A_931] {strides = array<i32>} : memref<65536xf32, #tpu.memory_space<vmem>>, vector<16xf32>,
      tpu.vector_store %arg9[%swap3A_931], %gather3A_794 {strides = array<i32>} : memref<65536xf32, #tpu.memory_space<vmem>>, vector<16xf32>,
      %swap3A_933 = arith.index_cast %add3A_800 : i32 to index
      %swap3A_934 = tpu.vector_load %arg9[%swap3A_933] {strides = array<i32>} : memref<65536xf32, #tpu.memory_space<vmem>>, vector<16xf32>,
      tpu.vector_store %arg9[%swap3A_933], %gather3A_802 {strides = array<i32>} : memref<65536xf32, #tpu.memory_space<vmem>>, vector<16xf32>,
      %add3A_935 = arith.constant 1024 : i32
      %add3A_936 = arith.addi %mul3A_152, %add3A_935 : i32
      %add3A_937 = arith.constant 48 : i32
      %add3A_938 = arith.addi %add3A_936, %add3A_937 : i32
      %add3A_939 = arith.addi %gather3A_870, %add3A_20 : vector<16xi32>
      %gather3A_940 = tpu.vector_load_idx %arg6[%add3A_939] : memref<2304xf32, #tpu.memory_space<vmem>>[vector<16xi32>], vector<16xf32>,
      %add3A_941 = arith.constant 1024 : i32
      %add3A_942 = arith.addi %mul3A_152, %add3A_941 : i32
      %add3A_943 = arith.constant 64 : i32
      %add3A_944 = arith.addi %add3A_942, %add3A_943 : i32
      %add3A_945 = arith.constant 48 : i32
      %add3A_946 = arith.addi %add3A_944, %add3A_945 : i32
      %add3A_947 = arith.addi %gather3A_880, %add3A_20 : vector<16xi32>
      %gather3A_948 = tpu.vector_load_idx %arg6[%add3A_947] : memref<2304xf32, #tpu.memory_space<vmem>>[vector<16xi32>], vector<16xf32>,
      %swap3A_949 = arith.index_cast %add3A_810 : i32 to index
      %swap3A_950 = tpu.vector_load %arg9[%swap3A_949] {strides = array<i32>} : memref<65536xf32, #tpu.memory_space<vmem>>, vector<16xf32>,
      tpu.vector_store %arg9[%swap3A_949], %gather3A_812 {strides = array<i32>} : memref<65536xf32, #tpu.memory_space<vmem>>, vector<16xf32>,
      %swap3A_951 = arith.index_cast %add3A_818 : i32 to index
      %swap3A_952 = tpu.vector_load %arg9[%swap3A_951] {strides = array<i32>} : memref<65536xf32, #tpu.memory_space<vmem>>, vector<16xf32>,
      tpu.vector_store %arg9[%swap3A_951], %gather3A_820 {strides = array<i32>} : memref<65536xf32, #tpu.memory_space<vmem>>, vector<16xf32>,
      %lt3A_953 = arith.constant 0 : i32
      %lt3A_954 = vector.broadcast %lt3A_953 : i32 to vector<16xi32>
      %lt3A_955 = arith.cmpi slt, %broadcast_in_dim3A_39, %lt3A_954 : vector<16xi32>
      %add3A_956 = arith.constant 16 : i32
      %add3A_957 = vector.broadcast %add3A_956 : i32 to vector<16xi32>
      %add3A_958 = arith.addi %broadcast_in_dim3A_39, %add3A_957 : vector<16xi32>
      %select_n3A_959 = arith.select %lt3A_955, %add3A_958, %broadcast_in_dim3A_39 : vector<16xi1>, vector<16xi32>
      %broadcast_in_dim3A_960 = vector.shape_cast %select_n3A_959 : vector<16xi32> to vector<16x1xi32>
      %gather3A_961 = vector.shape_cast %broadcast_in_dim3A_960 : vector<16x1xi32> to vector<16xi32>
      %gather3A_962 = tpu.dynamic_gather %mul3A_140[%gather3A_961] in [0] : vector<16xi32>, vector<16xi32> -> vector<16xi32>
      %lt3A_963 = arith.constant 0 : i32
      %lt3A_964 = vector.broadcast %lt3A_963 : i32 to vector<16xi32>
      %lt3A_965 = arith.cmpi slt, %broadcast_in_dim3A_39, %lt3A_964 : vector<16xi32>
      %add3A_966 = arith.constant 16 : i32
      %add3A_967 = vector.broadcast %add3A_966 : i32 to vector<16xi32>
      %add3A_968 = arith.addi %broadcast_in_dim3A_39, %add3A_967 : vector<16xi32>
      %select_n3A_969 = arith.select %lt3A_965, %add3A_968, %broadcast_in_dim3A_39 : vector<16xi1>, vector<16xi32>
      %broadcast_in_dim3A_970 = vector.shape_cast %select_n3A_969 : vector<16xi32> to vector<16x1xi32>
      %gather3A_971 = vector.shape_cast %broadcast_in_dim3A_970 : vector<16x1xi32> to vector<16xi32>
      %gather3A_972 = tpu.dynamic_gather %add3A_150[%gather3A_971] in [0] : vector<16xi32>, vector<16xi32> -> vector<16xi32>
      %add3A_973 = arith.constant 1152 : i32
      %add3A_974 = arith.addi %mul3A_152, %add3A_973 : i32
      %add3A_975 = arith.constant 0 : i32
      %add3A_976 = arith.addi %add3A_974, %add3A_975 : i32
      %add3A_977 = arith.addi %gather3A_962, %add3A_11 : vector<16xi32>
      %gather3A_978 = tpu.vector_load_idx %arg6[%add3A_977] : memref<2304xf32, #tpu.memory_space<vmem>>[vector<16xi32>], vector<16xf32>,
      %add3A_979 = arith.constant 1152 : i32
      %add3A_980 = arith.addi %mul3A_152, %add3A_979 : i32
      %add3A_981 = arith.constant 64 : i32
      %add3A_982 = arith.addi %add3A_980, %add3A_981 : i32
      %add3A_983 = arith.constant 0 : i32
      %add3A_984 = arith.addi %add3A_982, %add3A_983 : i32
      %add3A_985 = arith.addi %gather3A_972, %add3A_11 : vector<16xi32>
      %gather3A_986 = tpu.vector_load_idx %arg6[%add3A_985] : memref<2304xf32, #tpu.memory_space<vmem>>[vector<16xi32>], vector<16xf32>,
      %swap3A_987 = arith.index_cast %add3A_828 : i32 to index
      %swap3A_988 = tpu.vector_load %arg9[%swap3A_987] {strides = array<i32>} : memref<65536xf32, #tpu.memory_space<vmem>>, vector<16xf32>,
      tpu.vector_store %arg9[%swap3A_987], %gather3A_830 {strides = array<i32>} : memref<65536xf32, #tpu.memory_space<vmem>>, vector<16xf32>,
      %swap3A_989 = arith.index_cast %add3A_836 : i32 to index
      %swap3A_990 = tpu.vector_load %arg9[%swap3A_989] {strides = array<i32>} : memref<65536xf32, #tpu.memory_space<vmem>>, vector<16xf32>,
      tpu.vector_store %arg9[%swap3A_989], %gather3A_838 {strides = array<i32>} : memref<65536xf32, #tpu.memory_space<vmem>>, vector<16xf32>,
      %add3A_991 = arith.constant 1152 : i32
      %add3A_992 = arith.addi %mul3A_152, %add3A_991 : i32
      %add3A_993 = arith.constant 16 : i32
      %add3A_994 = arith.addi %add3A_992, %add3A_993 : i32
      %add3A_995 = arith.addi %gather3A_962, %add3A_14 : vector<16xi32>
      %gather3A_996 = tpu.vector_load_idx %arg6[%add3A_995] : memref<2304xf32, #tpu.memory_space<vmem>>[vector<16xi32>], vector<16xf32>,
      %add3A_997 = arith.constant 1152 : i32
      %add3A_998 = arith.addi %mul3A_152, %add3A_997 : i32
      %add3A_999 = arith.constant 64 : i32
      %add3A_1000 = arith.addi %add3A_998, %add3A_999 : i32
      %add3A_1001 = arith.constant 16 : i32
      %add3A_1002 = arith.addi %add3A_1000, %add3A_1001 : i32
      %add3A_1003 = arith.addi %gather3A_972, %add3A_14 : vector<16xi32>
      %gather3A_1004 = tpu.vector_load_idx %arg6[%add3A_1003] : memref<2304xf32, #tpu.memory_space<vmem>>[vector<16xi32>], vector<16xf32>,
      %swap3A_1005 = arith.index_cast %add3A_846 : i32 to index
      %swap3A_1006 = tpu.vector_load %arg9[%swap3A_1005] {strides = array<i32>} : memref<65536xf32, #tpu.memory_space<vmem>>, vector<16xf32>,
      tpu.vector_store %arg9[%swap3A_1005], %gather3A_848 {strides = array<i32>} : memref<65536xf32, #tpu.memory_space<vmem>>, vector<16xf32>,
      %swap3A_1007 = arith.index_cast %add3A_854 : i32 to index
      %swap3A_1008 = tpu.vector_load %arg9[%swap3A_1007] {strides = array<i32>} : memref<65536xf32, #tpu.memory_space<vmem>>, vector<16xf32>,
      tpu.vector_store %arg9[%swap3A_1007], %gather3A_856 {strides = array<i32>} : memref<65536xf32, #tpu.memory_space<vmem>>, vector<16xf32>,
      %add3A_1009 = arith.constant 1152 : i32
      %add3A_1010 = arith.addi %mul3A_152, %add3A_1009 : i32
      %add3A_1011 = arith.constant 32 : i32
      %add3A_1012 = arith.addi %add3A_1010, %add3A_1011 : i32
      %add3A_1013 = arith.addi %gather3A_962, %add3A_17 : vector<16xi32>
      %gather3A_1014 = tpu.vector_load_idx %arg6[%add3A_1013] : memref<2304xf32, #tpu.memory_space<vmem>>[vector<16xi32>], vector<16xf32>,
      %add3A_1015 = arith.constant 1152 : i32
      %add3A_1016 = arith.addi %mul3A_152, %add3A_1015 : i32
      %add3A_1017 = arith.constant 64 : i32
      %add3A_1018 = arith.addi %add3A_1016, %add3A_1017 : i32
      %add3A_1019 = arith.constant 32 : i32
      %add3A_1020 = arith.addi %add3A_1018, %add3A_1019 : i32
      %add3A_1021 = arith.addi %gather3A_972, %add3A_17 : vector<16xi32>
      %gather3A_1022 = tpu.vector_load_idx %arg6[%add3A_1021] : memref<2304xf32, #tpu.memory_space<vmem>>[vector<16xi32>], vector<16xf32>,
      %swap3A_1023 = arith.index_cast %add3A_884 : i32 to index
      %swap3A_1024 = tpu.vector_load %arg9[%swap3A_1023] {strides = array<i32>} : memref<65536xf32, #tpu.memory_space<vmem>>, vector<16xf32>,
      tpu.vector_store %arg9[%swap3A_1023], %gather3A_886 {strides = array<i32>} : memref<65536xf32, #tpu.memory_space<vmem>>, vector<16xf32>,
      %swap3A_1025 = arith.index_cast %add3A_892 : i32 to index
      %swap3A_1026 = tpu.vector_load %arg9[%swap3A_1025] {strides = array<i32>} : memref<65536xf32, #tpu.memory_space<vmem>>, vector<16xf32>,
      tpu.vector_store %arg9[%swap3A_1025], %gather3A_894 {strides = array<i32>} : memref<65536xf32, #tpu.memory_space<vmem>>, vector<16xf32>,
      %add3A_1027 = arith.constant 1152 : i32
      %add3A_1028 = arith.addi %mul3A_152, %add3A_1027 : i32
      %add3A_1029 = arith.constant 48 : i32
      %add3A_1030 = arith.addi %add3A_1028, %add3A_1029 : i32
      %add3A_1031 = arith.addi %gather3A_962, %add3A_20 : vector<16xi32>
      %gather3A_1032 = tpu.vector_load_idx %arg6[%add3A_1031] : memref<2304xf32, #tpu.memory_space<vmem>>[vector<16xi32>], vector<16xf32>,
      %add3A_1033 = arith.constant 1152 : i32
      %add3A_1034 = arith.addi %mul3A_152, %add3A_1033 : i32
      %add3A_1035 = arith.constant 64 : i32
      %add3A_1036 = arith.addi %add3A_1034, %add3A_1035 : i32
      %add3A_1037 = arith.constant 48 : i32
      %add3A_1038 = arith.addi %add3A_1036, %add3A_1037 : i32
      %add3A_1039 = arith.addi %gather3A_972, %add3A_20 : vector<16xi32>
      %gather3A_1040 = tpu.vector_load_idx %arg6[%add3A_1039] : memref<2304xf32, #tpu.memory_space<vmem>>[vector<16xi32>], vector<16xf32>,
      %swap3A_1041 = arith.index_cast %add3A_902 : i32 to index
      %swap3A_1042 = tpu.vector_load %arg9[%swap3A_1041] {strides = array<i32>} : memref<65536xf32, #tpu.memory_space<vmem>>, vector<16xf32>,
      tpu.vector_store %arg9[%swap3A_1041], %gather3A_904 {strides = array<i32>} : memref<65536xf32, #tpu.memory_space<vmem>>, vector<16xf32>,
      %swap3A_1043 = arith.index_cast %add3A_910 : i32 to index
      %swap3A_1044 = tpu.vector_load %arg9[%swap3A_1043] {strides = array<i32>} : memref<65536xf32, #tpu.memory_space<vmem>>, vector<16xf32>,
      tpu.vector_store %arg9[%swap3A_1043], %gather3A_912 {strides = array<i32>} : memref<65536xf32, #tpu.memory_space<vmem>>, vector<16xf32>,
      %lt3A_1045 = arith.constant 0 : i32
      %lt3A_1046 = vector.broadcast %lt3A_1045 : i32 to vector<16xi32>
      %lt3A_1047 = arith.cmpi slt, %broadcast_in_dim3A_41, %lt3A_1046 : vector<16xi32>
      %add3A_1048 = arith.constant 16 : i32
      %add3A_1049 = vector.broadcast %add3A_1048 : i32 to vector<16xi32>
      %add3A_1050 = arith.addi %broadcast_in_dim3A_41, %add3A_1049 : vector<16xi32>
      %select_n3A_1051 = arith.select %lt3A_1047, %add3A_1050, %broadcast_in_dim3A_41 : vector<16xi1>, vector<16xi32>
      %broadcast_in_dim3A_1052 = vector.shape_cast %select_n3A_1051 : vector<16xi32> to vector<16x1xi32>
      %gather3A_1053 = vector.shape_cast %broadcast_in_dim3A_1052 : vector<16x1xi32> to vector<16xi32>
      %gather3A_1054 = tpu.dynamic_gather %mul3A_140[%gather3A_1053] in [0] : vector<16xi32>, vector<16xi32> -> vector<16xi32>
      %lt3A_1055 = arith.constant 0 : i32
      %lt3A_1056 = vector.broadcast %lt3A_1055 : i32 to vector<16xi32>
      %lt3A_1057 = arith.cmpi slt, %broadcast_in_dim3A_41, %lt3A_1056 : vector<16xi32>
      %add3A_1058 = arith.constant 16 : i32
      %add3A_1059 = vector.broadcast %add3A_1058 : i32 to vector<16xi32>
      %add3A_1060 = arith.addi %broadcast_in_dim3A_41, %add3A_1059 : vector<16xi32>
      %select_n3A_1061 = arith.select %lt3A_1057, %add3A_1060, %broadcast_in_dim3A_41 : vector<16xi1>, vector<16xi32>
      %broadcast_in_dim3A_1062 = vector.shape_cast %select_n3A_1061 : vector<16xi32> to vector<16x1xi32>
      %gather3A_1063 = vector.shape_cast %broadcast_in_dim3A_1062 : vector<16x1xi32> to vector<16xi32>
      %gather3A_1064 = tpu.dynamic_gather %add3A_150[%gather3A_1063] in [0] : vector<16xi32>, vector<16xi32> -> vector<16xi32>
      %add3A_1065 = arith.constant 1280 : i32
      %add3A_1066 = arith.addi %mul3A_152, %add3A_1065 : i32
      %add3A_1067 = arith.constant 0 : i32
      %add3A_1068 = arith.addi %add3A_1066, %add3A_1067 : i32
      %add3A_1069 = arith.addi %gather3A_1054, %add3A_11 : vector<16xi32>
      %gather3A_1070 = tpu.vector_load_idx %arg6[%add3A_1069] : memref<2304xf32, #tpu.memory_space<vmem>>[vector<16xi32>], vector<16xf32>,
      %add3A_1071 = arith.constant 1280 : i32
      %add3A_1072 = arith.addi %mul3A_152, %add3A_1071 : i32
      %add3A_1073 = arith.constant 64 : i32
      %add3A_1074 = arith.addi %add3A_1072, %add3A_1073 : i32
      %add3A_1075 = arith.constant 0 : i32
      %add3A_1076 = arith.addi %add3A_1074, %add3A_1075 : i32
      %add3A_1077 = arith.addi %gather3A_1064, %add3A_11 : vector<16xi32>
      %gather3A_1078 = tpu.vector_load_idx %arg6[%add3A_1077] : memref<2304xf32, #tpu.memory_space<vmem>>[vector<16xi32>], vector<16xf32>,
      %swap3A_1079 = arith.index_cast %add3A_920 : i32 to index
      %swap3A_1080 = tpu.vector_load %arg9[%swap3A_1079] {strides = array<i32>} : memref<65536xf32, #tpu.memory_space<vmem>>, vector<16xf32>,
      tpu.vector_store %arg9[%swap3A_1079], %gather3A_922 {strides = array<i32>} : memref<65536xf32, #tpu.memory_space<vmem>>, vector<16xf32>,
      %swap3A_1081 = arith.index_cast %add3A_928 : i32 to index
      %swap3A_1082 = tpu.vector_load %arg9[%swap3A_1081] {strides = array<i32>} : memref<65536xf32, #tpu.memory_space<vmem>>, vector<16xf32>,
      tpu.vector_store %arg9[%swap3A_1081], %gather3A_930 {strides = array<i32>} : memref<65536xf32, #tpu.memory_space<vmem>>, vector<16xf32>,
      %add3A_1083 = arith.constant 1280 : i32
      %add3A_1084 = arith.addi %mul3A_152, %add3A_1083 : i32
      %add3A_1085 = arith.constant 16 : i32
      %add3A_1086 = arith.addi %add3A_1084, %add3A_1085 : i32
      %add3A_1087 = arith.addi %gather3A_1054, %add3A_14 : vector<16xi32>
      %gather3A_1088 = tpu.vector_load_idx %arg6[%add3A_1087] : memref<2304xf32, #tpu.memory_space<vmem>>[vector<16xi32>], vector<16xf32>,
      %add3A_1089 = arith.constant 1280 : i32
      %add3A_1090 = arith.addi %mul3A_152, %add3A_1089 : i32
      %add3A_1091 = arith.constant 64 : i32
      %add3A_1092 = arith.addi %add3A_1090, %add3A_1091 : i32
      %add3A_1093 = arith.constant 16 : i32
      %add3A_1094 = arith.addi %add3A_1092, %add3A_1093 : i32
      %add3A_1095 = arith.addi %gather3A_1064, %add3A_14 : vector<16xi32>
      %gather3A_1096 = tpu.vector_load_idx %arg6[%add3A_1095] : memref<2304xf32, #tpu.memory_space<vmem>>[vector<16xi32>], vector<16xf32>,
      %swap3A_1097 = arith.index_cast %add3A_938 : i32 to index
      %swap3A_1098 = tpu.vector_load %arg9[%swap3A_1097] {strides = array<i32>} : memref<65536xf32, #tpu.memory_space<vmem>>, vector<16xf32>,
      tpu.vector_store %arg9[%swap3A_1097], %gather3A_940 {strides = array<i32>} : memref<65536xf32, #tpu.memory_space<vmem>>, vector<16xf32>,
      %swap3A_1099 = arith.index_cast %add3A_946 : i32 to index
      %swap3A_1100 = tpu.vector_load %arg9[%swap3A_1099] {strides = array<i32>} : memref<65536xf32, #tpu.memory_space<vmem>>, vector<16xf32>,
      tpu.vector_store %arg9[%swap3A_1099], %gather3A_948 {strides = array<i32>} : memref<65536xf32, #tpu.memory_space<vmem>>, vector<16xf32>,
      %add3A_1101 = arith.constant 1280 : i32
      %add3A_1102 = arith.addi %mul3A_152, %add3A_1101 : i32
      %add3A_1103 = arith.constant 32 : i32
      %add3A_1104 = arith.addi %add3A_1102, %add3A_1103 : i32
      %add3A_1105 = arith.addi %gather3A_1054, %add3A_17 : vector<16xi32>
      %gather3A_1106 = tpu.vector_load_idx %arg6[%add3A_1105] : memref<2304xf32, #tpu.memory_space<vmem>>[vector<16xi32>], vector<16xf32>,
      %add3A_1107 = arith.constant 1280 : i32
      %add3A_1108 = arith.addi %mul3A_152, %add3A_1107 : i32
      %add3A_1109 = arith.constant 64 : i32
      %add3A_1110 = arith.addi %add3A_1108, %add3A_1109 : i32
      %add3A_1111 = arith.constant 32 : i32
      %add3A_1112 = arith.addi %add3A_1110, %add3A_1111 : i32
      %add3A_1113 = arith.addi %gather3A_1064, %add3A_17 : vector<16xi32>
      %gather3A_1114 = tpu.vector_load_idx %arg6[%add3A_1113] : memref<2304xf32, #tpu.memory_space<vmem>>[vector<16xi32>], vector<16xf32>,
      %swap3A_1115 = arith.index_cast %add3A_976 : i32 to index
      %swap3A_1116 = tpu.vector_load %arg9[%swap3A_1115] {strides = array<i32>} : memref<65536xf32, #tpu.memory_space<vmem>>, vector<16xf32>,
      tpu.vector_store %arg9[%swap3A_1115], %gather3A_978 {strides = array<i32>} : memref<65536xf32, #tpu.memory_space<vmem>>, vector<16xf32>,
      %swap3A_1117 = arith.index_cast %add3A_984 : i32 to index
      %swap3A_1118 = tpu.vector_load %arg9[%swap3A_1117] {strides = array<i32>} : memref<65536xf32, #tpu.memory_space<vmem>>, vector<16xf32>,
      tpu.vector_store %arg9[%swap3A_1117], %gather3A_986 {strides = array<i32>} : memref<65536xf32, #tpu.memory_space<vmem>>, vector<16xf32>,
      %add3A_1119 = arith.constant 1280 : i32
      %add3A_1120 = arith.addi %mul3A_152, %add3A_1119 : i32
      %add3A_1121 = arith.constant 48 : i32
      %add3A_1122 = arith.addi %add3A_1120, %add3A_1121 : i32
      %add3A_1123 = arith.addi %gather3A_1054, %add3A_20 : vector<16xi32>
      %gather3A_1124 = tpu.vector_load_idx %arg6[%add3A_1123] : memref<2304xf32, #tpu.memory_space<vmem>>[vector<16xi32>], vector<16xf32>,
      %add3A_1125 = arith.constant 1280 : i32
      %add3A_1126 = arith.addi %mul3A_152, %add3A_1125 : i32
      %add3A_1127 = arith.constant 64 : i32
      %add3A_1128 = arith.addi %add3A_1126, %add3A_1127 : i32
      %add3A_1129 = arith.constant 48 : i32
      %add3A_1130 = arith.addi %add3A_1128, %add3A_1129 : i32
      %add3A_1131 = arith.addi %gather3A_1064, %add3A_20 : vector<16xi32>
      %gather3A_1132 = tpu.vector_load_idx %arg6[%add3A_1131] : memref<2304xf32, #tpu.memory_space<vmem>>[vector<16xi32>], vector<16xf32>,
      %swap3A_1133 = arith.index_cast %add3A_994 : i32 to index
      %swap3A_1134 = tpu.vector_load %arg9[%swap3A_1133] {strides = array<i32>} : memref<65536xf32, #tpu.memory_space<vmem>>, vector<16xf32>,
      tpu.vector_store %arg9[%swap3A_1133], %gather3A_996 {strides = array<i32>} : memref<65536xf32, #tpu.memory_space<vmem>>, vector<16xf32>,
      %swap3A_1135 = arith.index_cast %add3A_1002 : i32 to index
      %swap3A_1136 = tpu.vector_load %arg9[%swap3A_1135] {strides = array<i32>} : memref<65536xf32, #tpu.memory_space<vmem>>, vector<16xf32>,
      tpu.vector_store %arg9[%swap3A_1135], %gather3A_1004 {strides = array<i32>} : memref<65536xf32, #tpu.memory_space<vmem>>, vector<16xf32>,
      %lt3A_1137 = arith.constant 0 : i32
      %lt3A_1138 = vector.broadcast %lt3A_1137 : i32 to vector<16xi32>
      %lt3A_1139 = arith.cmpi slt, %broadcast_in_dim3A_43, %lt3A_1138 : vector<16xi32>
      %add3A_1140 = arith.constant 16 : i32
      %add3A_1141 = vector.broadcast %add3A_1140 : i32 to vector<16xi32>
      %add3A_1142 = arith.addi %broadcast_in_dim3A_43, %add3A_1141 : vector<16xi32>
      %select_n3A_1143 = arith.select %lt3A_1139, %add3A_1142, %broadcast_in_dim3A_43 : vector<16xi1>, vector<16xi32>
      %broadcast_in_dim3A_1144 = vector.shape_cast %select_n3A_1143 : vector<16xi32> to vector<16x1xi32>
      %gather3A_1145 = vector.shape_cast %broadcast_in_dim3A_1144 : vector<16x1xi32> to vector<16xi32>
      %gather3A_1146 = tpu.dynamic_gather %mul3A_140[%gather3A_1145] in [0] : vector<16xi32>, vector<16xi32> -> vector<16xi32>
      %lt3A_1147 = arith.constant 0 : i32
      %lt3A_1148 = vector.broadcast %lt3A_1147 : i32 to vector<16xi32>
      %lt3A_1149 = arith.cmpi slt, %broadcast_in_dim3A_43, %lt3A_1148 : vector<16xi32>
      %add3A_1150 = arith.constant 16 : i32
      %add3A_1151 = vector.broadcast %add3A_1150 : i32 to vector<16xi32>
      %add3A_1152 = arith.addi %broadcast_in_dim3A_43, %add3A_1151 : vector<16xi32>
      %select_n3A_1153 = arith.select %lt3A_1149, %add3A_1152, %broadcast_in_dim3A_43 : vector<16xi1>, vector<16xi32>
      %broadcast_in_dim3A_1154 = vector.shape_cast %select_n3A_1153 : vector<16xi32> to vector<16x1xi32>
      %gather3A_1155 = vector.shape_cast %broadcast_in_dim3A_1154 : vector<16x1xi32> to vector<16xi32>
      %gather3A_1156 = tpu.dynamic_gather %add3A_150[%gather3A_1155] in [0] : vector<16xi32>, vector<16xi32> -> vector<16xi32>
      %add3A_1157 = arith.constant 1408 : i32
      %add3A_1158 = arith.addi %mul3A_152, %add3A_1157 : i32
      %add3A_1159 = arith.constant 0 : i32
      %add3A_1160 = arith.addi %add3A_1158, %add3A_1159 : i32
      %add3A_1161 = arith.addi %gather3A_1146, %add3A_11 : vector<16xi32>
      %gather3A_1162 = tpu.vector_load_idx %arg6[%add3A_1161] : memref<2304xf32, #tpu.memory_space<vmem>>[vector<16xi32>], vector<16xf32>,
      %add3A_1163 = arith.constant 1408 : i32
      %add3A_1164 = arith.addi %mul3A_152, %add3A_1163 : i32
      %add3A_1165 = arith.constant 64 : i32
      %add3A_1166 = arith.addi %add3A_1164, %add3A_1165 : i32
      %add3A_1167 = arith.constant 0 : i32
      %add3A_1168 = arith.addi %add3A_1166, %add3A_1167 : i32
      %add3A_1169 = arith.addi %gather3A_1156, %add3A_11 : vector<16xi32>
      %gather3A_1170 = tpu.vector_load_idx %arg6[%add3A_1169] : memref<2304xf32, #tpu.memory_space<vmem>>[vector<16xi32>], vector<16xf32>,
      %swap3A_1171 = arith.index_cast %add3A_1012 : i32 to index
      %swap3A_1172 = tpu.vector_load %arg9[%swap3A_1171] {strides = array<i32>} : memref<65536xf32, #tpu.memory_space<vmem>>, vector<16xf32>,
      tpu.vector_store %arg9[%swap3A_1171], %gather3A_1014 {strides = array<i32>} : memref<65536xf32, #tpu.memory_space<vmem>>, vector<16xf32>,
      %swap3A_1173 = arith.index_cast %add3A_1020 : i32 to index
      %swap3A_1174 = tpu.vector_load %arg9[%swap3A_1173] {strides = array<i32>} : memref<65536xf32, #tpu.memory_space<vmem>>, vector<16xf32>,
      tpu.vector_store %arg9[%swap3A_1173], %gather3A_1022 {strides = array<i32>} : memref<65536xf32, #tpu.memory_space<vmem>>, vector<16xf32>,
      %add3A_1175 = arith.constant 1408 : i32
      %add3A_1176 = arith.addi %mul3A_152, %add3A_1175 : i32
      %add3A_1177 = arith.constant 16 : i32
      %add3A_1178 = arith.addi %add3A_1176, %add3A_1177 : i32
      %add3A_1179 = arith.addi %gather3A_1146, %add3A_14 : vector<16xi32>
      %gather3A_1180 = tpu.vector_load_idx %arg6[%add3A_1179] : memref<2304xf32, #tpu.memory_space<vmem>>[vector<16xi32>], vector<16xf32>,
      %add3A_1181 = arith.constant 1408 : i32
      %add3A_1182 = arith.addi %mul3A_152, %add3A_1181 : i32
      %add3A_1183 = arith.constant 64 : i32
      %add3A_1184 = arith.addi %add3A_1182, %add3A_1183 : i32
      %add3A_1185 = arith.constant 16 : i32
      %add3A_1186 = arith.addi %add3A_1184, %add3A_1185 : i32
      %add3A_1187 = arith.addi %gather3A_1156, %add3A_14 : vector<16xi32>
      %gather3A_1188 = tpu.vector_load_idx %arg6[%add3A_1187] : memref<2304xf32, #tpu.memory_space<vmem>>[vector<16xi32>], vector<16xf32>,
      %swap3A_1189 = arith.index_cast %add3A_1030 : i32 to index
      %swap3A_1190 = tpu.vector_load %arg9[%swap3A_1189] {strides = array<i32>} : memref<65536xf32, #tpu.memory_space<vmem>>, vector<16xf32>,
      tpu.vector_store %arg9[%swap3A_1189], %gather3A_1032 {strides = array<i32>} : memref<65536xf32, #tpu.memory_space<vmem>>, vector<16xf32>,
      %swap3A_1191 = arith.index_cast %add3A_1038 : i32 to index
      %swap3A_1192 = tpu.vector_load %arg9[%swap3A_1191] {strides = array<i32>} : memref<65536xf32, #tpu.memory_space<vmem>>, vector<16xf32>,
      tpu.vector_store %arg9[%swap3A_1191], %gather3A_1040 {strides = array<i32>} : memref<65536xf32, #tpu.memory_space<vmem>>, vector<16xf32>,
      %add3A_1193 = arith.constant 1408 : i32
      %add3A_1194 = arith.addi %mul3A_152, %add3A_1193 : i32
      %add3A_1195 = arith.constant 32 : i32
      %add3A_1196 = arith.addi %add3A_1194, %add3A_1195 : i32
      %add3A_1197 = arith.addi %gather3A_1146, %add3A_17 : vector<16xi32>
      %gather3A_1198 = tpu.vector_load_idx %arg6[%add3A_1197] : memref<2304xf32, #tpu.memory_space<vmem>>[vector<16xi32>], vector<16xf32>,
      %add3A_1199 = arith.constant 1408 : i32
      %add3A_1200 = arith.addi %mul3A_152, %add3A_1199 : i32
      %add3A_1201 = arith.constant 64 : i32
      %add3A_1202 = arith.addi %add3A_1200, %add3A_1201 : i32
      %add3A_1203 = arith.constant 32 : i32
      %add3A_1204 = arith.addi %add3A_1202, %add3A_1203 : i32
      %add3A_1205 = arith.addi %gather3A_1156, %add3A_17 : vector<16xi32>
      %gather3A_1206 = tpu.vector_load_idx %arg6[%add3A_1205] : memref<2304xf32, #tpu.memory_space<vmem>>[vector<16xi32>], vector<16xf32>,
      %swap3A_1207 = arith.index_cast %add3A_1068 : i32 to index
      %swap3A_1208 = tpu.vector_load %arg9[%swap3A_1207] {strides = array<i32>} : memref<65536xf32, #tpu.memory_space<vmem>>, vector<16xf32>,
      tpu.vector_store %arg9[%swap3A_1207], %gather3A_1070 {strides = array<i32>} : memref<65536xf32, #tpu.memory_space<vmem>>, vector<16xf32>,
      %swap3A_1209 = arith.index_cast %add3A_1076 : i32 to index
      %swap3A_1210 = tpu.vector_load %arg9[%swap3A_1209] {strides = array<i32>} : memref<65536xf32, #tpu.memory_space<vmem>>, vector<16xf32>,
      tpu.vector_store %arg9[%swap3A_1209], %gather3A_1078 {strides = array<i32>} : memref<65536xf32, #tpu.memory_space<vmem>>, vector<16xf32>,
      %add3A_1211 = arith.constant 1408 : i32
      %add3A_1212 = arith.addi %mul3A_152, %add3A_1211 : i32
      %add3A_1213 = arith.constant 48 : i32
      %add3A_1214 = arith.addi %add3A_1212, %add3A_1213 : i32
      %add3A_1215 = arith.addi %gather3A_1146, %add3A_20 : vector<16xi32>
      %gather3A_1216 = tpu.vector_load_idx %arg6[%add3A_1215] : memref<2304xf32, #tpu.memory_space<vmem>>[vector<16xi32>], vector<16xf32>,
      %add3A_1217 = arith.constant 1408 : i32
      %add3A_1218 = arith.addi %mul3A_152, %add3A_1217 : i32
      %add3A_1219 = arith.constant 64 : i32
      %add3A_1220 = arith.addi %add3A_1218, %add3A_1219 : i32
      %add3A_1221 = arith.constant 48 : i32
      %add3A_1222 = arith.addi %add3A_1220, %add3A_1221 : i32
      %add3A_1223 = arith.addi %gather3A_1156, %add3A_20 : vector<16xi32>
      %gather3A_1224 = tpu.vector_load_idx %arg6[%add3A_1223] : memref<2304xf32, #tpu.memory_space<vmem>>[vector<16xi32>], vector<16xf32>,
      %swap3A_1225 = arith.index_cast %add3A_1086 : i32 to index
      %swap3A_1226 = tpu.vector_load %arg9[%swap3A_1225] {strides = array<i32>} : memref<65536xf32, #tpu.memory_space<vmem>>, vector<16xf32>,
      tpu.vector_store %arg9[%swap3A_1225], %gather3A_1088 {strides = array<i32>} : memref<65536xf32, #tpu.memory_space<vmem>>, vector<16xf32>,
      %swap3A_1227 = arith.index_cast %add3A_1094 : i32 to index
      %swap3A_1228 = tpu.vector_load %arg9[%swap3A_1227] {strides = array<i32>} : memref<65536xf32, #tpu.memory_space<vmem>>, vector<16xf32>,
      tpu.vector_store %arg9[%swap3A_1227], %gather3A_1096 {strides = array<i32>} : memref<65536xf32, #tpu.memory_space<vmem>>, vector<16xf32>,
      %lt3A_1229 = arith.constant 0 : i32
      %lt3A_1230 = vector.broadcast %lt3A_1229 : i32 to vector<16xi32>
      %lt3A_1231 = arith.cmpi slt, %broadcast_in_dim3A_45, %lt3A_1230 : vector<16xi32>
      %add3A_1232 = arith.constant 16 : i32
      %add3A_1233 = vector.broadcast %add3A_1232 : i32 to vector<16xi32>
      %add3A_1234 = arith.addi %broadcast_in_dim3A_45, %add3A_1233 : vector<16xi32>
      %select_n3A_1235 = arith.select %lt3A_1231, %add3A_1234, %broadcast_in_dim3A_45 : vector<16xi1>, vector<16xi32>
      %broadcast_in_dim3A_1236 = vector.shape_cast %select_n3A_1235 : vector<16xi32> to vector<16x1xi32>
      %gather3A_1237 = vector.shape_cast %broadcast_in_dim3A_1236 : vector<16x1xi32> to vector<16xi32>
      %gather3A_1238 = tpu.dynamic_gather %mul3A_140[%gather3A_1237] in [0] : vector<16xi32>, vector<16xi32> -> vector<16xi32>
      %lt3A_1239 = arith.constant 0 : i32
      %lt3A_1240 = vector.broadcast %lt3A_1239 : i32 to vector<16xi32>
      %lt3A_1241 = arith.cmpi slt, %broadcast_in_dim3A_45, %lt3A_1240 : vector<16xi32>
      %add3A_1242 = arith.constant 16 : i32
      %add3A_1243 = vector.broadcast %add3A_1242 : i32 to vector<16xi32>
      %add3A_1244 = arith.addi %broadcast_in_dim3A_45, %add3A_1243 : vector<16xi32>
      %select_n3A_1245 = arith.select %lt3A_1241, %add3A_1244, %broadcast_in_dim3A_45 : vector<16xi1>, vector<16xi32>
      %broadcast_in_dim3A_1246 = vector.shape_cast %select_n3A_1245 : vector<16xi32> to vector<16x1xi32>
      %gather3A_1247 = vector.shape_cast %broadcast_in_dim3A_1246 : vector<16x1xi32> to vector<16xi32>
      %gather3A_1248 = tpu.dynamic_gather %add3A_150[%gather3A_1247] in [0] : vector<16xi32>, vector<16xi32> -> vector<16xi32>
      %add3A_1249 = arith.constant 1536 : i32
      %add3A_1250 = arith.addi %mul3A_152, %add3A_1249 : i32
      %add3A_1251 = arith.constant 0 : i32
      %add3A_1252 = arith.addi %add3A_1250, %add3A_1251 : i32
      %add3A_1253 = arith.addi %gather3A_1238, %add3A_11 : vector<16xi32>
      %gather3A_1254 = tpu.vector_load_idx %arg6[%add3A_1253] : memref<2304xf32, #tpu.memory_space<vmem>>[vector<16xi32>], vector<16xf32>,
      %add3A_1255 = arith.constant 1536 : i32
      %add3A_1256 = arith.addi %mul3A_152, %add3A_1255 : i32
      %add3A_1257 = arith.constant 64 : i32
      %add3A_1258 = arith.addi %add3A_1256, %add3A_1257 : i32
      %add3A_1259 = arith.constant 0 : i32
      %add3A_1260 = arith.addi %add3A_1258, %add3A_1259 : i32
      %add3A_1261 = arith.addi %gather3A_1248, %add3A_11 : vector<16xi32>
      %gather3A_1262 = tpu.vector_load_idx %arg6[%add3A_1261] : memref<2304xf32, #tpu.memory_space<vmem>>[vector<16xi32>], vector<16xf32>,
      %swap3A_1263 = arith.index_cast %add3A_1104 : i32 to index
      %swap3A_1264 = tpu.vector_load %arg9[%swap3A_1263] {strides = array<i32>} : memref<65536xf32, #tpu.memory_space<vmem>>, vector<16xf32>,
      tpu.vector_store %arg9[%swap3A_1263], %gather3A_1106 {strides = array<i32>} : memref<65536xf32, #tpu.memory_space<vmem>>, vector<16xf32>,
      %swap3A_1265 = arith.index_cast %add3A_1112 : i32 to index
      %swap3A_1266 = tpu.vector_load %arg9[%swap3A_1265] {strides = array<i32>} : memref<65536xf32, #tpu.memory_space<vmem>>, vector<16xf32>,
      tpu.vector_store %arg9[%swap3A_1265], %gather3A_1114 {strides = array<i32>} : memref<65536xf32, #tpu.memory_space<vmem>>, vector<16xf32>,
      %add3A_1267 = arith.constant 1536 : i32
      %add3A_1268 = arith.addi %mul3A_152, %add3A_1267 : i32
      %add3A_1269 = arith.constant 16 : i32
      %add3A_1270 = arith.addi %add3A_1268, %add3A_1269 : i32
      %add3A_1271 = arith.addi %gather3A_1238, %add3A_14 : vector<16xi32>
      %gather3A_1272 = tpu.vector_load_idx %arg6[%add3A_1271] : memref<2304xf32, #tpu.memory_space<vmem>>[vector<16xi32>], vector<16xf32>,
      %add3A_1273 = arith.constant 1536 : i32
      %add3A_1274 = arith.addi %mul3A_152, %add3A_1273 : i32
      %add3A_1275 = arith.constant 64 : i32
      %add3A_1276 = arith.addi %add3A_1274, %add3A_1275 : i32
      %add3A_1277 = arith.constant 16 : i32
      %add3A_1278 = arith.addi %add3A_1276, %add3A_1277 : i32
      %add3A_1279 = arith.addi %gather3A_1248, %add3A_14 : vector<16xi32>
      %gather3A_1280 = tpu.vector_load_idx %arg6[%add3A_1279] : memref<2304xf32, #tpu.memory_space<vmem>>[vector<16xi32>], vector<16xf32>,
      %swap3A_1281 = arith.index_cast %add3A_1122 : i32 to index
      %swap3A_1282 = tpu.vector_load %arg9[%swap3A_1281] {strides = array<i32>} : memref<65536xf32, #tpu.memory_space<vmem>>, vector<16xf32>,
      tpu.vector_store %arg9[%swap3A_1281], %gather3A_1124 {strides = array<i32>} : memref<65536xf32, #tpu.memory_space<vmem>>, vector<16xf32>,
      %swap3A_1283 = arith.index_cast %add3A_1130 : i32 to index
      %swap3A_1284 = tpu.vector_load %arg9[%swap3A_1283] {strides = array<i32>} : memref<65536xf32, #tpu.memory_space<vmem>>, vector<16xf32>,
      tpu.vector_store %arg9[%swap3A_1283], %gather3A_1132 {strides = array<i32>} : memref<65536xf32, #tpu.memory_space<vmem>>, vector<16xf32>,
      %add3A_1285 = arith.constant 1536 : i32
      %add3A_1286 = arith.addi %mul3A_152, %add3A_1285 : i32
      %add3A_1287 = arith.constant 32 : i32
      %add3A_1288 = arith.addi %add3A_1286, %add3A_1287 : i32
      %add3A_1289 = arith.addi %gather3A_1238, %add3A_17 : vector<16xi32>
      %gather3A_1290 = tpu.vector_load_idx %arg6[%add3A_1289] : memref<2304xf32, #tpu.memory_space<vmem>>[vector<16xi32>], vector<16xf32>,
      %add3A_1291 = arith.constant 1536 : i32
      %add3A_1292 = arith.addi %mul3A_152, %add3A_1291 : i32
      %add3A_1293 = arith.constant 64 : i32
      %add3A_1294 = arith.addi %add3A_1292, %add3A_1293 : i32
      %add3A_1295 = arith.constant 32 : i32
      %add3A_1296 = arith.addi %add3A_1294, %add3A_1295 : i32
      %add3A_1297 = arith.addi %gather3A_1248, %add3A_17 : vector<16xi32>
      %gather3A_1298 = tpu.vector_load_idx %arg6[%add3A_1297] : memref<2304xf32, #tpu.memory_space<vmem>>[vector<16xi32>], vector<16xf32>,
      %swap3A_1299 = arith.index_cast %add3A_1160 : i32 to index
      %swap3A_1300 = tpu.vector_load %arg9[%swap3A_1299] {strides = array<i32>} : memref<65536xf32, #tpu.memory_space<vmem>>, vector<16xf32>,
      tpu.vector_store %arg9[%swap3A_1299], %gather3A_1162 {strides = array<i32>} : memref<65536xf32, #tpu.memory_space<vmem>>, vector<16xf32>,
      %swap3A_1301 = arith.index_cast %add3A_1168 : i32 to index
      %swap3A_1302 = tpu.vector_load %arg9[%swap3A_1301] {strides = array<i32>} : memref<65536xf32, #tpu.memory_space<vmem>>, vector<16xf32>,
      tpu.vector_store %arg9[%swap3A_1301], %gather3A_1170 {strides = array<i32>} : memref<65536xf32, #tpu.memory_space<vmem>>, vector<16xf32>,
      %add3A_1303 = arith.constant 1536 : i32
      %add3A_1304 = arith.addi %mul3A_152, %add3A_1303 : i32
      %add3A_1305 = arith.constant 48 : i32
      %add3A_1306 = arith.addi %add3A_1304, %add3A_1305 : i32
      %add3A_1307 = arith.addi %gather3A_1238, %add3A_20 : vector<16xi32>
      %gather3A_1308 = tpu.vector_load_idx %arg6[%add3A_1307] : memref<2304xf32, #tpu.memory_space<vmem>>[vector<16xi32>], vector<16xf32>,
      %add3A_1309 = arith.constant 1536 : i32
      %add3A_1310 = arith.addi %mul3A_152, %add3A_1309 : i32
      %add3A_1311 = arith.constant 64 : i32
      %add3A_1312 = arith.addi %add3A_1310, %add3A_1311 : i32
      %add3A_1313 = arith.constant 48 : i32
      %add3A_1314 = arith.addi %add3A_1312, %add3A_1313 : i32
      %add3A_1315 = arith.addi %gather3A_1248, %add3A_20 : vector<16xi32>
      %gather3A_1316 = tpu.vector_load_idx %arg6[%add3A_1315] : memref<2304xf32, #tpu.memory_space<vmem>>[vector<16xi32>], vector<16xf32>,
      %swap3A_1317 = arith.index_cast %add3A_1178 : i32 to index
      %swap3A_1318 = tpu.vector_load %arg9[%swap3A_1317] {strides = array<i32>} : memref<65536xf32, #tpu.memory_space<vmem>>, vector<16xf32>,
      tpu.vector_store %arg9[%swap3A_1317], %gather3A_1180 {strides = array<i32>} : memref<65536xf32, #tpu.memory_space<vmem>>, vector<16xf32>,
      %swap3A_1319 = arith.index_cast %add3A_1186 : i32 to index
      %swap3A_1320 = tpu.vector_load %arg9[%swap3A_1319] {strides = array<i32>} : memref<65536xf32, #tpu.memory_space<vmem>>, vector<16xf32>,
      tpu.vector_store %arg9[%swap3A_1319], %gather3A_1188 {strides = array<i32>} : memref<65536xf32, #tpu.memory_space<vmem>>, vector<16xf32>,
      %lt3A_1321 = arith.constant 0 : i32
      %lt3A_1322 = vector.broadcast %lt3A_1321 : i32 to vector<16xi32>
      %lt3A_1323 = arith.cmpi slt, %broadcast_in_dim3A_47, %lt3A_1322 : vector<16xi32>
      %add3A_1324 = arith.constant 16 : i32
      %add3A_1325 = vector.broadcast %add3A_1324 : i32 to vector<16xi32>
      %add3A_1326 = arith.addi %broadcast_in_dim3A_47, %add3A_1325 : vector<16xi32>
      %select_n3A_1327 = arith.select %lt3A_1323, %add3A_1326, %broadcast_in_dim3A_47 : vector<16xi1>, vector<16xi32>
      %broadcast_in_dim3A_1328 = vector.shape_cast %select_n3A_1327 : vector<16xi32> to vector<16x1xi32>
      %gather3A_1329 = vector.shape_cast %broadcast_in_dim3A_1328 : vector<16x1xi32> to vector<16xi32>
      %gather3A_1330 = tpu.dynamic_gather %mul3A_140[%gather3A_1329] in [0] : vector<16xi32>, vector<16xi32> -> vector<16xi32>
      %lt3A_1331 = arith.constant 0 : i32
      %lt3A_1332 = vector.broadcast %lt3A_1331 : i32 to vector<16xi32>
      %lt3A_1333 = arith.cmpi slt, %broadcast_in_dim3A_47, %lt3A_1332 : vector<16xi32>
      %add3A_1334 = arith.constant 16 : i32
      %add3A_1335 = vector.broadcast %add3A_1334 : i32 to vector<16xi32>
      %add3A_1336 = arith.addi %broadcast_in_dim3A_47, %add3A_1335 : vector<16xi32>
      %select_n3A_1337 = arith.select %lt3A_1333, %add3A_1336, %broadcast_in_dim3A_47 : vector<16xi1>, vector<16xi32>
      %broadcast_in_dim3A_1338 = vector.shape_cast %select_n3A_1337 : vector<16xi32> to vector<16x1xi32>
      %gather3A_1339 = vector.shape_cast %broadcast_in_dim3A_1338 : vector<16x1xi32> to vector<16xi32>
      %gather3A_1340 = tpu.dynamic_gather %add3A_150[%gather3A_1339] in [0] : vector<16xi32>, vector<16xi32> -> vector<16xi32>
      %add3A_1341 = arith.constant 1664 : i32
      %add3A_1342 = arith.addi %mul3A_152, %add3A_1341 : i32
      %add3A_1343 = arith.constant 0 : i32
      %add3A_1344 = arith.addi %add3A_1342, %add3A_1343 : i32
      %add3A_1345 = arith.addi %gather3A_1330, %add3A_11 : vector<16xi32>
      %gather3A_1346 = tpu.vector_load_idx %arg6[%add3A_1345] : memref<2304xf32, #tpu.memory_space<vmem>>[vector<16xi32>], vector<16xf32>,
      %add3A_1347 = arith.constant 1664 : i32
      %add3A_1348 = arith.addi %mul3A_152, %add3A_1347 : i32
      %add3A_1349 = arith.constant 64 : i32
      %add3A_1350 = arith.addi %add3A_1348, %add3A_1349 : i32
      %add3A_1351 = arith.constant 0 : i32
      %add3A_1352 = arith.addi %add3A_1350, %add3A_1351 : i32
      %add3A_1353 = arith.addi %gather3A_1340, %add3A_11 : vector<16xi32>
      %gather3A_1354 = tpu.vector_load_idx %arg6[%add3A_1353] : memref<2304xf32, #tpu.memory_space<vmem>>[vector<16xi32>], vector<16xf32>,
      %swap3A_1355 = arith.index_cast %add3A_1196 : i32 to index
      %swap3A_1356 = tpu.vector_load %arg9[%swap3A_1355] {strides = array<i32>} : memref<65536xf32, #tpu.memory_space<vmem>>, vector<16xf32>,
      tpu.vector_store %arg9[%swap3A_1355], %gather3A_1198 {strides = array<i32>} : memref<65536xf32, #tpu.memory_space<vmem>>, vector<16xf32>,
      %swap3A_1357 = arith.index_cast %add3A_1204 : i32 to index
      %swap3A_1358 = tpu.vector_load %arg9[%swap3A_1357] {strides = array<i32>} : memref<65536xf32, #tpu.memory_space<vmem>>, vector<16xf32>,
      tpu.vector_store %arg9[%swap3A_1357], %gather3A_1206 {strides = array<i32>} : memref<65536xf32, #tpu.memory_space<vmem>>, vector<16xf32>,
      %add3A_1359 = arith.constant 1664 : i32
      %add3A_1360 = arith.addi %mul3A_152, %add3A_1359 : i32
      %add3A_1361 = arith.constant 16 : i32
      %add3A_1362 = arith.addi %add3A_1360, %add3A_1361 : i32
      %add3A_1363 = arith.addi %gather3A_1330, %add3A_14 : vector<16xi32>
      %gather3A_1364 = tpu.vector_load_idx %arg6[%add3A_1363] : memref<2304xf32, #tpu.memory_space<vmem>>[vector<16xi32>], vector<16xf32>,
      %add3A_1365 = arith.constant 1664 : i32
      %add3A_1366 = arith.addi %mul3A_152, %add3A_1365 : i32
      %add3A_1367 = arith.constant 64 : i32
      %add3A_1368 = arith.addi %add3A_1366, %add3A_1367 : i32
      %add3A_1369 = arith.constant 16 : i32
      %add3A_1370 = arith.addi %add3A_1368, %add3A_1369 : i32
      %add3A_1371 = arith.addi %gather3A_1340, %add3A_14 : vector<16xi32>
      %gather3A_1372 = tpu.vector_load_idx %arg6[%add3A_1371] : memref<2304xf32, #tpu.memory_space<vmem>>[vector<16xi32>], vector<16xf32>,
      %swap3A_1373 = arith.index_cast %add3A_1214 : i32 to index
      %swap3A_1374 = tpu.vector_load %arg9[%swap3A_1373] {strides = array<i32>} : memref<65536xf32, #tpu.memory_space<vmem>>, vector<16xf32>,
      tpu.vector_store %arg9[%swap3A_1373], %gather3A_1216 {strides = array<i32>} : memref<65536xf32, #tpu.memory_space<vmem>>, vector<16xf32>,
      %swap3A_1375 = arith.index_cast %add3A_1222 : i32 to index
      %swap3A_1376 = tpu.vector_load %arg9[%swap3A_1375] {strides = array<i32>} : memref<65536xf32, #tpu.memory_space<vmem>>, vector<16xf32>,
      tpu.vector_store %arg9[%swap3A_1375], %gather3A_1224 {strides = array<i32>} : memref<65536xf32, #tpu.memory_space<vmem>>, vector<16xf32>,
      %add3A_1377 = arith.constant 1664 : i32
      %add3A_1378 = arith.addi %mul3A_152, %add3A_1377 : i32
      %add3A_1379 = arith.constant 32 : i32
      %add3A_1380 = arith.addi %add3A_1378, %add3A_1379 : i32
      %add3A_1381 = arith.addi %gather3A_1330, %add3A_17 : vector<16xi32>
      %gather3A_1382 = tpu.vector_load_idx %arg6[%add3A_1381] : memref<2304xf32, #tpu.memory_space<vmem>>[vector<16xi32>], vector<16xf32>,
      %add3A_1383 = arith.constant 1664 : i32
      %add3A_1384 = arith.addi %mul3A_152, %add3A_1383 : i32
      %add3A_1385 = arith.constant 64 : i32
      %add3A_1386 = arith.addi %add3A_1384, %add3A_1385 : i32
      %add3A_1387 = arith.constant 32 : i32
      %add3A_1388 = arith.addi %add3A_1386, %add3A_1387 : i32
      %add3A_1389 = arith.addi %gather3A_1340, %add3A_17 : vector<16xi32>
      %gather3A_1390 = tpu.vector_load_idx %arg6[%add3A_1389] : memref<2304xf32, #tpu.memory_space<vmem>>[vector<16xi32>], vector<16xf32>,
      %swap3A_1391 = arith.index_cast %add3A_1252 : i32 to index
      %swap3A_1392 = tpu.vector_load %arg9[%swap3A_1391] {strides = array<i32>} : memref<65536xf32, #tpu.memory_space<vmem>>, vector<16xf32>,
      tpu.vector_store %arg9[%swap3A_1391], %gather3A_1254 {strides = array<i32>} : memref<65536xf32, #tpu.memory_space<vmem>>, vector<16xf32>,
      %swap3A_1393 = arith.index_cast %add3A_1260 : i32 to index
      %swap3A_1394 = tpu.vector_load %arg9[%swap3A_1393] {strides = array<i32>} : memref<65536xf32, #tpu.memory_space<vmem>>, vector<16xf32>,
      tpu.vector_store %arg9[%swap3A_1393], %gather3A_1262 {strides = array<i32>} : memref<65536xf32, #tpu.memory_space<vmem>>, vector<16xf32>,
      %add3A_1395 = arith.constant 1664 : i32
      %add3A_1396 = arith.addi %mul3A_152, %add3A_1395 : i32
      %add3A_1397 = arith.constant 48 : i32
      %add3A_1398 = arith.addi %add3A_1396, %add3A_1397 : i32
      %add3A_1399 = arith.addi %gather3A_1330, %add3A_20 : vector<16xi32>
      %gather3A_1400 = tpu.vector_load_idx %arg6[%add3A_1399] : memref<2304xf32, #tpu.memory_space<vmem>>[vector<16xi32>], vector<16xf32>,
      %add3A_1401 = arith.constant 1664 : i32
      %add3A_1402 = arith.addi %mul3A_152, %add3A_1401 : i32
      %add3A_1403 = arith.constant 64 : i32
      %add3A_1404 = arith.addi %add3A_1402, %add3A_1403 : i32
      %add3A_1405 = arith.constant 48 : i32
      %add3A_1406 = arith.addi %add3A_1404, %add3A_1405 : i32
      %add3A_1407 = arith.addi %gather3A_1340, %add3A_20 : vector<16xi32>
      %gather3A_1408 = tpu.vector_load_idx %arg6[%add3A_1407] : memref<2304xf32, #tpu.memory_space<vmem>>[vector<16xi32>], vector<16xf32>,
      %swap3A_1409 = arith.index_cast %add3A_1270 : i32 to index
      %swap3A_1410 = tpu.vector_load %arg9[%swap3A_1409] {strides = array<i32>} : memref<65536xf32, #tpu.memory_space<vmem>>, vector<16xf32>,
      tpu.vector_store %arg9[%swap3A_1409], %gather3A_1272 {strides = array<i32>} : memref<65536xf32, #tpu.memory_space<vmem>>, vector<16xf32>,
      %swap3A_1411 = arith.index_cast %add3A_1278 : i32 to index
      %swap3A_1412 = tpu.vector_load %arg9[%swap3A_1411] {strides = array<i32>} : memref<65536xf32, #tpu.memory_space<vmem>>, vector<16xf32>,
      tpu.vector_store %arg9[%swap3A_1411], %gather3A_1280 {strides = array<i32>} : memref<65536xf32, #tpu.memory_space<vmem>>, vector<16xf32>,
      %lt3A_1413 = arith.constant 0 : i32
      %lt3A_1414 = vector.broadcast %lt3A_1413 : i32 to vector<16xi32>
      %lt3A_1415 = arith.cmpi slt, %broadcast_in_dim3A_49, %lt3A_1414 : vector<16xi32>
      %add3A_1416 = arith.constant 16 : i32
      %add3A_1417 = vector.broadcast %add3A_1416 : i32 to vector<16xi32>
      %add3A_1418 = arith.addi %broadcast_in_dim3A_49, %add3A_1417 : vector<16xi32>
      %select_n3A_1419 = arith.select %lt3A_1415, %add3A_1418, %broadcast_in_dim3A_49 : vector<16xi1>, vector<16xi32>
      %broadcast_in_dim3A_1420 = vector.shape_cast %select_n3A_1419 : vector<16xi32> to vector<16x1xi32>
      %gather3A_1421 = vector.shape_cast %broadcast_in_dim3A_1420 : vector<16x1xi32> to vector<16xi32>
      %gather3A_1422 = tpu.dynamic_gather %mul3A_140[%gather3A_1421] in [0] : vector<16xi32>, vector<16xi32> -> vector<16xi32>
      %lt3A_1423 = arith.constant 0 : i32
      %lt3A_1424 = vector.broadcast %lt3A_1423 : i32 to vector<16xi32>
      %lt3A_1425 = arith.cmpi slt, %broadcast_in_dim3A_49, %lt3A_1424 : vector<16xi32>
      %add3A_1426 = arith.constant 16 : i32
      %add3A_1427 = vector.broadcast %add3A_1426 : i32 to vector<16xi32>
      %add3A_1428 = arith.addi %broadcast_in_dim3A_49, %add3A_1427 : vector<16xi32>
      %select_n3A_1429 = arith.select %lt3A_1425, %add3A_1428, %broadcast_in_dim3A_49 : vector<16xi1>, vector<16xi32>
      %broadcast_in_dim3A_1430 = vector.shape_cast %select_n3A_1429 : vector<16xi32> to vector<16x1xi32>
      %gather3A_1431 = vector.shape_cast %broadcast_in_dim3A_1430 : vector<16x1xi32> to vector<16xi32>
      %gather3A_1432 = tpu.dynamic_gather %add3A_150[%gather3A_1431] in [0] : vector<16xi32>, vector<16xi32> -> vector<16xi32>
      %add3A_1433 = arith.constant 1792 : i32
      %add3A_1434 = arith.addi %mul3A_152, %add3A_1433 : i32
      %add3A_1435 = arith.constant 0 : i32
      %add3A_1436 = arith.addi %add3A_1434, %add3A_1435 : i32
      %add3A_1437 = arith.addi %gather3A_1422, %add3A_11 : vector<16xi32>
      %gather3A_1438 = tpu.vector_load_idx %arg6[%add3A_1437] : memref<2304xf32, #tpu.memory_space<vmem>>[vector<16xi32>], vector<16xf32>,
      %add3A_1439 = arith.constant 1792 : i32
      %add3A_1440 = arith.addi %mul3A_152, %add3A_1439 : i32
      %add3A_1441 = arith.constant 64 : i32
      %add3A_1442 = arith.addi %add3A_1440, %add3A_1441 : i32
      %add3A_1443 = arith.constant 0 : i32
      %add3A_1444 = arith.addi %add3A_1442, %add3A_1443 : i32
      %add3A_1445 = arith.addi %gather3A_1432, %add3A_11 : vector<16xi32>
      %gather3A_1446 = tpu.vector_load_idx %arg6[%add3A_1445] : memref<2304xf32, #tpu.memory_space<vmem>>[vector<16xi32>], vector<16xf32>,
      %swap3A_1447 = arith.index_cast %add3A_1288 : i32 to index
      %swap3A_1448 = tpu.vector_load %arg9[%swap3A_1447] {strides = array<i32>} : memref<65536xf32, #tpu.memory_space<vmem>>, vector<16xf32>,
      tpu.vector_store %arg9[%swap3A_1447], %gather3A_1290 {strides = array<i32>} : memref<65536xf32, #tpu.memory_space<vmem>>, vector<16xf32>,
      %swap3A_1449 = arith.index_cast %add3A_1296 : i32 to index
      %swap3A_1450 = tpu.vector_load %arg9[%swap3A_1449] {strides = array<i32>} : memref<65536xf32, #tpu.memory_space<vmem>>, vector<16xf32>,
      tpu.vector_store %arg9[%swap3A_1449], %gather3A_1298 {strides = array<i32>} : memref<65536xf32, #tpu.memory_space<vmem>>, vector<16xf32>,
      %add3A_1451 = arith.constant 1792 : i32
      %add3A_1452 = arith.addi %mul3A_152, %add3A_1451 : i32
      %add3A_1453 = arith.constant 16 : i32
      %add3A_1454 = arith.addi %add3A_1452, %add3A_1453 : i32
      %add3A_1455 = arith.addi %gather3A_1422, %add3A_14 : vector<16xi32>
      %gather3A_1456 = tpu.vector_load_idx %arg6[%add3A_1455] : memref<2304xf32, #tpu.memory_space<vmem>>[vector<16xi32>], vector<16xf32>,
      %add3A_1457 = arith.constant 1792 : i32
      %add3A_1458 = arith.addi %mul3A_152, %add3A_1457 : i32
      %add3A_1459 = arith.constant 64 : i32
      %add3A_1460 = arith.addi %add3A_1458, %add3A_1459 : i32
      %add3A_1461 = arith.constant 16 : i32
      %add3A_1462 = arith.addi %add3A_1460, %add3A_1461 : i32
      %add3A_1463 = arith.addi %gather3A_1432, %add3A_14 : vector<16xi32>
      %gather3A_1464 = tpu.vector_load_idx %arg6[%add3A_1463] : memref<2304xf32, #tpu.memory_space<vmem>>[vector<16xi32>], vector<16xf32>,
      %swap3A_1465 = arith.index_cast %add3A_1306 : i32 to index
      %swap3A_1466 = tpu.vector_load %arg9[%swap3A_1465] {strides = array<i32>} : memref<65536xf32, #tpu.memory_space<vmem>>, vector<16xf32>,
      tpu.vector_store %arg9[%swap3A_1465], %gather3A_1308 {strides = array<i32>} : memref<65536xf32, #tpu.memory_space<vmem>>, vector<16xf32>,
      %swap3A_1467 = arith.index_cast %add3A_1314 : i32 to index
      %swap3A_1468 = tpu.vector_load %arg9[%swap3A_1467] {strides = array<i32>} : memref<65536xf32, #tpu.memory_space<vmem>>, vector<16xf32>,
      tpu.vector_store %arg9[%swap3A_1467], %gather3A_1316 {strides = array<i32>} : memref<65536xf32, #tpu.memory_space<vmem>>, vector<16xf32>,
      %add3A_1469 = arith.constant 1792 : i32
      %add3A_1470 = arith.addi %mul3A_152, %add3A_1469 : i32
      %add3A_1471 = arith.constant 32 : i32
      %add3A_1472 = arith.addi %add3A_1470, %add3A_1471 : i32
      %add3A_1473 = arith.addi %gather3A_1422, %add3A_17 : vector<16xi32>
      %gather3A_1474 = tpu.vector_load_idx %arg6[%add3A_1473] : memref<2304xf32, #tpu.memory_space<vmem>>[vector<16xi32>], vector<16xf32>,
      %add3A_1475 = arith.constant 1792 : i32
      %add3A_1476 = arith.addi %mul3A_152, %add3A_1475 : i32
      %add3A_1477 = arith.constant 64 : i32
      %add3A_1478 = arith.addi %add3A_1476, %add3A_1477 : i32
      %add3A_1479 = arith.constant 32 : i32
      %add3A_1480 = arith.addi %add3A_1478, %add3A_1479 : i32
      %add3A_1481 = arith.addi %gather3A_1432, %add3A_17 : vector<16xi32>
      %gather3A_1482 = tpu.vector_load_idx %arg6[%add3A_1481] : memref<2304xf32, #tpu.memory_space<vmem>>[vector<16xi32>], vector<16xf32>,
      %swap3A_1483 = arith.index_cast %add3A_1344 : i32 to index
      %swap3A_1484 = tpu.vector_load %arg9[%swap3A_1483] {strides = array<i32>} : memref<65536xf32, #tpu.memory_space<vmem>>, vector<16xf32>,
      tpu.vector_store %arg9[%swap3A_1483], %gather3A_1346 {strides = array<i32>} : memref<65536xf32, #tpu.memory_space<vmem>>, vector<16xf32>,
      %swap3A_1485 = arith.index_cast %add3A_1352 : i32 to index
      %swap3A_1486 = tpu.vector_load %arg9[%swap3A_1485] {strides = array<i32>} : memref<65536xf32, #tpu.memory_space<vmem>>, vector<16xf32>,
      tpu.vector_store %arg9[%swap3A_1485], %gather3A_1354 {strides = array<i32>} : memref<65536xf32, #tpu.memory_space<vmem>>, vector<16xf32>,
      %add3A_1487 = arith.constant 1792 : i32
      %add3A_1488 = arith.addi %mul3A_152, %add3A_1487 : i32
      %add3A_1489 = arith.constant 48 : i32
      %add3A_1490 = arith.addi %add3A_1488, %add3A_1489 : i32
      %add3A_1491 = arith.addi %gather3A_1422, %add3A_20 : vector<16xi32>
      %gather3A_1492 = tpu.vector_load_idx %arg6[%add3A_1491] : memref<2304xf32, #tpu.memory_space<vmem>>[vector<16xi32>], vector<16xf32>,
      %add3A_1493 = arith.constant 1792 : i32
      %add3A_1494 = arith.addi %mul3A_152, %add3A_1493 : i32
      %add3A_1495 = arith.constant 64 : i32
      %add3A_1496 = arith.addi %add3A_1494, %add3A_1495 : i32
      %add3A_1497 = arith.constant 48 : i32
      %add3A_1498 = arith.addi %add3A_1496, %add3A_1497 : i32
      %add3A_1499 = arith.addi %gather3A_1432, %add3A_20 : vector<16xi32>
      %gather3A_1500 = tpu.vector_load_idx %arg6[%add3A_1499] : memref<2304xf32, #tpu.memory_space<vmem>>[vector<16xi32>], vector<16xf32>,
      %swap3A_1501 = arith.index_cast %add3A_1362 : i32 to index
      %swap3A_1502 = tpu.vector_load %arg9[%swap3A_1501] {strides = array<i32>} : memref<65536xf32, #tpu.memory_space<vmem>>, vector<16xf32>,
      tpu.vector_store %arg9[%swap3A_1501], %gather3A_1364 {strides = array<i32>} : memref<65536xf32, #tpu.memory_space<vmem>>, vector<16xf32>,
      %swap3A_1503 = arith.index_cast %add3A_1370 : i32 to index
      %swap3A_1504 = tpu.vector_load %arg9[%swap3A_1503] {strides = array<i32>} : memref<65536xf32, #tpu.memory_space<vmem>>, vector<16xf32>,
      tpu.vector_store %arg9[%swap3A_1503], %gather3A_1372 {strides = array<i32>} : memref<65536xf32, #tpu.memory_space<vmem>>, vector<16xf32>,
      %lt3A_1505 = arith.constant 0 : i32
      %lt3A_1506 = vector.broadcast %lt3A_1505 : i32 to vector<16xi32>
      %lt3A_1507 = arith.cmpi slt, %broadcast_in_dim3A_51, %lt3A_1506 : vector<16xi32>
      %add3A_1508 = arith.constant 16 : i32
      %add3A_1509 = vector.broadcast %add3A_1508 : i32 to vector<16xi32>
      %add3A_1510 = arith.addi %broadcast_in_dim3A_51, %add3A_1509 : vector<16xi32>
      %select_n3A_1511 = arith.select %lt3A_1507, %add3A_1510, %broadcast_in_dim3A_51 : vector<16xi1>, vector<16xi32>
      %broadcast_in_dim3A_1512 = vector.shape_cast %select_n3A_1511 : vector<16xi32> to vector<16x1xi32>
      %gather3A_1513 = vector.shape_cast %broadcast_in_dim3A_1512 : vector<16x1xi32> to vector<16xi32>
      %gather3A_1514 = tpu.dynamic_gather %mul3A_140[%gather3A_1513] in [0] : vector<16xi32>, vector<16xi32> -> vector<16xi32>
      %lt3A_1515 = arith.constant 0 : i32
      %lt3A_1516 = vector.broadcast %lt3A_1515 : i32 to vector<16xi32>
      %lt3A_1517 = arith.cmpi slt, %broadcast_in_dim3A_51, %lt3A_1516 : vector<16xi32>
      %add3A_1518 = arith.constant 16 : i32
      %add3A_1519 = vector.broadcast %add3A_1518 : i32 to vector<16xi32>
      %add3A_1520 = arith.addi %broadcast_in_dim3A_51, %add3A_1519 : vector<16xi32>
      %select_n3A_1521 = arith.select %lt3A_1517, %add3A_1520, %broadcast_in_dim3A_51 : vector<16xi1>, vector<16xi32>
      %broadcast_in_dim3A_1522 = vector.shape_cast %select_n3A_1521 : vector<16xi32> to vector<16x1xi32>
      %gather3A_1523 = vector.shape_cast %broadcast_in_dim3A_1522 : vector<16x1xi32> to vector<16xi32>
      %gather3A_1524 = tpu.dynamic_gather %add3A_150[%gather3A_1523] in [0] : vector<16xi32>, vector<16xi32> -> vector<16xi32>
      %add3A_1525 = arith.constant 1920 : i32
      %add3A_1526 = arith.addi %mul3A_152, %add3A_1525 : i32
      %add3A_1527 = arith.constant 0 : i32
      %add3A_1528 = arith.addi %add3A_1526, %add3A_1527 : i32
      %add3A_1529 = arith.addi %gather3A_1514, %add3A_11 : vector<16xi32>
      %gather3A_1530 = tpu.vector_load_idx %arg6[%add3A_1529] : memref<2304xf32, #tpu.memory_space<vmem>>[vector<16xi32>], vector<16xf32>,
      %add3A_1531 = arith.constant 1920 : i32
      %add3A_1532 = arith.addi %mul3A_152, %add3A_1531 : i32
      %add3A_1533 = arith.constant 64 : i32
      %add3A_1534 = arith.addi %add3A_1532, %add3A_1533 : i32
      %add3A_1535 = arith.constant 0 : i32
      %add3A_1536 = arith.addi %add3A_1534, %add3A_1535 : i32
      %add3A_1537 = arith.addi %gather3A_1524, %add3A_11 : vector<16xi32>
      %gather3A_1538 = tpu.vector_load_idx %arg6[%add3A_1537] : memref<2304xf32, #tpu.memory_space<vmem>>[vector<16xi32>], vector<16xf32>,
      %swap3A_1539 = arith.index_cast %add3A_1380 : i32 to index
      %swap3A_1540 = tpu.vector_load %arg9[%swap3A_1539] {strides = array<i32>} : memref<65536xf32, #tpu.memory_space<vmem>>, vector<16xf32>,
      tpu.vector_store %arg9[%swap3A_1539], %gather3A_1382 {strides = array<i32>} : memref<65536xf32, #tpu.memory_space<vmem>>, vector<16xf32>,
      %swap3A_1541 = arith.index_cast %add3A_1388 : i32 to index
      %swap3A_1542 = tpu.vector_load %arg9[%swap3A_1541] {strides = array<i32>} : memref<65536xf32, #tpu.memory_space<vmem>>, vector<16xf32>,
      tpu.vector_store %arg9[%swap3A_1541], %gather3A_1390 {strides = array<i32>} : memref<65536xf32, #tpu.memory_space<vmem>>, vector<16xf32>,
      %add3A_1543 = arith.constant 1920 : i32
      %add3A_1544 = arith.addi %mul3A_152, %add3A_1543 : i32
      %add3A_1545 = arith.constant 16 : i32
      %add3A_1546 = arith.addi %add3A_1544, %add3A_1545 : i32
      %add3A_1547 = arith.addi %gather3A_1514, %add3A_14 : vector<16xi32>
      %gather3A_1548 = tpu.vector_load_idx %arg6[%add3A_1547] : memref<2304xf32, #tpu.memory_space<vmem>>[vector<16xi32>], vector<16xf32>,
      %add3A_1549 = arith.constant 1920 : i32
      %add3A_1550 = arith.addi %mul3A_152, %add3A_1549 : i32
      %add3A_1551 = arith.constant 64 : i32
      %add3A_1552 = arith.addi %add3A_1550, %add3A_1551 : i32
      %add3A_1553 = arith.constant 16 : i32
      %add3A_1554 = arith.addi %add3A_1552, %add3A_1553 : i32
      %add3A_1555 = arith.addi %gather3A_1524, %add3A_14 : vector<16xi32>
      %gather3A_1556 = tpu.vector_load_idx %arg6[%add3A_1555] : memref<2304xf32, #tpu.memory_space<vmem>>[vector<16xi32>], vector<16xf32>,
      %swap3A_1557 = arith.index_cast %add3A_1398 : i32 to index
      %swap3A_1558 = tpu.vector_load %arg9[%swap3A_1557] {strides = array<i32>} : memref<65536xf32, #tpu.memory_space<vmem>>, vector<16xf32>,
      tpu.vector_store %arg9[%swap3A_1557], %gather3A_1400 {strides = array<i32>} : memref<65536xf32, #tpu.memory_space<vmem>>, vector<16xf32>,
      %swap3A_1559 = arith.index_cast %add3A_1406 : i32 to index
      %swap3A_1560 = tpu.vector_load %arg9[%swap3A_1559] {strides = array<i32>} : memref<65536xf32, #tpu.memory_space<vmem>>, vector<16xf32>,
      tpu.vector_store %arg9[%swap3A_1559], %gather3A_1408 {strides = array<i32>} : memref<65536xf32, #tpu.memory_space<vmem>>, vector<16xf32>,
      %add3A_1561 = arith.constant 1920 : i32
      %add3A_1562 = arith.addi %mul3A_152, %add3A_1561 : i32
      %add3A_1563 = arith.constant 32 : i32
      %add3A_1564 = arith.addi %add3A_1562, %add3A_1563 : i32
      %add3A_1565 = arith.addi %gather3A_1514, %add3A_17 : vector<16xi32>
      %gather3A_1566 = tpu.vector_load_idx %arg6[%add3A_1565] : memref<2304xf32, #tpu.memory_space<vmem>>[vector<16xi32>], vector<16xf32>,
      %add3A_1567 = arith.constant 1920 : i32
      %add3A_1568 = arith.addi %mul3A_152, %add3A_1567 : i32
      %add3A_1569 = arith.constant 64 : i32
      %add3A_1570 = arith.addi %add3A_1568, %add3A_1569 : i32
      %add3A_1571 = arith.constant 32 : i32
      %add3A_1572 = arith.addi %add3A_1570, %add3A_1571 : i32
      %add3A_1573 = arith.addi %gather3A_1524, %add3A_17 : vector<16xi32>
      %gather3A_1574 = tpu.vector_load_idx %arg6[%add3A_1573] : memref<2304xf32, #tpu.memory_space<vmem>>[vector<16xi32>], vector<16xf32>,
      %swap3A_1575 = arith.index_cast %add3A_1436 : i32 to index
      %swap3A_1576 = tpu.vector_load %arg9[%swap3A_1575] {strides = array<i32>} : memref<65536xf32, #tpu.memory_space<vmem>>, vector<16xf32>,
      tpu.vector_store %arg9[%swap3A_1575], %gather3A_1438 {strides = array<i32>} : memref<65536xf32, #tpu.memory_space<vmem>>, vector<16xf32>,
      %swap3A_1577 = arith.index_cast %add3A_1444 : i32 to index
      %swap3A_1578 = tpu.vector_load %arg9[%swap3A_1577] {strides = array<i32>} : memref<65536xf32, #tpu.memory_space<vmem>>, vector<16xf32>,
      tpu.vector_store %arg9[%swap3A_1577], %gather3A_1446 {strides = array<i32>} : memref<65536xf32, #tpu.memory_space<vmem>>, vector<16xf32>,
      %add3A_1579 = arith.constant 1920 : i32
      %add3A_1580 = arith.addi %mul3A_152, %add3A_1579 : i32
      %add3A_1581 = arith.constant 48 : i32
      %add3A_1582 = arith.addi %add3A_1580, %add3A_1581 : i32
      %add3A_1583 = arith.addi %gather3A_1514, %add3A_20 : vector<16xi32>
      %gather3A_1584 = tpu.vector_load_idx %arg6[%add3A_1583] : memref<2304xf32, #tpu.memory_space<vmem>>[vector<16xi32>], vector<16xf32>,
      %add3A_1585 = arith.constant 1920 : i32
      %add3A_1586 = arith.addi %mul3A_152, %add3A_1585 : i32
      %add3A_1587 = arith.constant 64 : i32
      %add3A_1588 = arith.addi %add3A_1586, %add3A_1587 : i32
      %add3A_1589 = arith.constant 48 : i32
      %add3A_1590 = arith.addi %add3A_1588, %add3A_1589 : i32
      %add3A_1591 = arith.addi %gather3A_1524, %add3A_20 : vector<16xi32>
      %gather3A_1592 = tpu.vector_load_idx %arg6[%add3A_1591] : memref<2304xf32, #tpu.memory_space<vmem>>[vector<16xi32>], vector<16xf32>,
      %swap3A_1593 = arith.index_cast %add3A_1454 : i32 to index
      %swap3A_1594 = tpu.vector_load %arg9[%swap3A_1593] {strides = array<i32>} : memref<65536xf32, #tpu.memory_space<vmem>>, vector<16xf32>,
      tpu.vector_store %arg9[%swap3A_1593], %gather3A_1456 {strides = array<i32>} : memref<65536xf32, #tpu.memory_space<vmem>>, vector<16xf32>,
      %swap3A_1595 = arith.index_cast %add3A_1462 : i32 to index
      %swap3A_1596 = tpu.vector_load %arg9[%swap3A_1595] {strides = array<i32>} : memref<65536xf32, #tpu.memory_space<vmem>>, vector<16xf32>,
      tpu.vector_store %arg9[%swap3A_1595], %gather3A_1464 {strides = array<i32>} : memref<65536xf32, #tpu.memory_space<vmem>>, vector<16xf32>,
      %swap3A_1597 = arith.index_cast %add3A_1472 : i32 to index
      %swap3A_1598 = tpu.vector_load %arg9[%swap3A_1597] {strides = array<i32>} : memref<65536xf32, #tpu.memory_space<vmem>>, vector<16xf32>,
      tpu.vector_store %arg9[%swap3A_1597], %gather3A_1474 {strides = array<i32>} : memref<65536xf32, #tpu.memory_space<vmem>>, vector<16xf32>,
      %swap3A_1599 = arith.index_cast %add3A_1480 : i32 to index
      %swap3A_1600 = tpu.vector_load %arg9[%swap3A_1599] {strides = array<i32>} : memref<65536xf32, #tpu.memory_space<vmem>>, vector<16xf32>,
      tpu.vector_store %arg9[%swap3A_1599], %gather3A_1482 {strides = array<i32>} : memref<65536xf32, #tpu.memory_space<vmem>>, vector<16xf32>,
      %swap3A_1601 = arith.index_cast %add3A_1490 : i32 to index
      %swap3A_1602 = tpu.vector_load %arg9[%swap3A_1601] {strides = array<i32>} : memref<65536xf32, #tpu.memory_space<vmem>>, vector<16xf32>,
      tpu.vector_store %arg9[%swap3A_1601], %gather3A_1492 {strides = array<i32>} : memref<65536xf32, #tpu.memory_space<vmem>>, vector<16xf32>,
      %swap3A_1603 = arith.index_cast %add3A_1498 : i32 to index
      %swap3A_1604 = tpu.vector_load %arg9[%swap3A_1603] {strides = array<i32>} : memref<65536xf32, #tpu.memory_space<vmem>>, vector<16xf32>,
      tpu.vector_store %arg9[%swap3A_1603], %gather3A_1500 {strides = array<i32>} : memref<65536xf32, #tpu.memory_space<vmem>>, vector<16xf32>,
      %swap3A_1605 = arith.index_cast %add3A_1528 : i32 to index
      %swap3A_1606 = tpu.vector_load %arg9[%swap3A_1605] {strides = array<i32>} : memref<65536xf32, #tpu.memory_space<vmem>>, vector<16xf32>,
      tpu.vector_store %arg9[%swap3A_1605], %gather3A_1530 {strides = array<i32>} : memref<65536xf32, #tpu.memory_space<vmem>>, vector<16xf32>,
      %swap3A_1607 = arith.index_cast %add3A_1536 : i32 to index
      %swap3A_1608 = tpu.vector_load %arg9[%swap3A_1607] {strides = array<i32>} : memref<65536xf32, #tpu.memory_space<vmem>>, vector<16xf32>,
      tpu.vector_store %arg9[%swap3A_1607], %gather3A_1538 {strides = array<i32>} : memref<65536xf32, #tpu.memory_space<vmem>>, vector<16xf32>,
      %swap3A_1609 = arith.index_cast %add3A_1546 : i32 to index
      %swap3A_1610 = tpu.vector_load %arg9[%swap3A_1609] {strides = array<i32>} : memref<65536xf32, #tpu.memory_space<vmem>>, vector<16xf32>,
      tpu.vector_store %arg9[%swap3A_1609], %gather3A_1548 {strides = array<i32>} : memref<65536xf32, #tpu.memory_space<vmem>>, vector<16xf32>,
      %swap3A_1611 = arith.index_cast %add3A_1554 : i32 to index
      %swap3A_1612 = tpu.vector_load %arg9[%swap3A_1611] {strides = array<i32>} : memref<65536xf32, #tpu.memory_space<vmem>>, vector<16xf32>,
      tpu.vector_store %arg9[%swap3A_1611], %gather3A_1556 {strides = array<i32>} : memref<65536xf32, #tpu.memory_space<vmem>>, vector<16xf32>,
      %swap3A_1613 = arith.index_cast %add3A_1564 : i32 to index
      %swap3A_1614 = tpu.vector_load %arg9[%swap3A_1613] {strides = array<i32>} : memref<65536xf32, #tpu.memory_space<vmem>>, vector<16xf32>,
      tpu.vector_store %arg9[%swap3A_1613], %gather3A_1566 {strides = array<i32>} : memref<65536xf32, #tpu.memory_space<vmem>>, vector<16xf32>,
      %swap3A_1615 = arith.index_cast %add3A_1572 : i32 to index
      %swap3A_1616 = tpu.vector_load %arg9[%swap3A_1615] {strides = array<i32>} : memref<65536xf32, #tpu.memory_space<vmem>>, vector<16xf32>,
      tpu.vector_store %arg9[%swap3A_1615], %gather3A_1574 {strides = array<i32>} : memref<65536xf32, #tpu.memory_space<vmem>>, vector<16xf32>,
      %swap3A_1617 = arith.index_cast %add3A_1582 : i32 to index
      %swap3A_1618 = tpu.vector_load %arg9[%swap3A_1617] {strides = array<i32>} : memref<65536xf32, #tpu.memory_space<vmem>>, vector<16xf32>,
      tpu.vector_store %arg9[%swap3A_1617], %gather3A_1584 {strides = array<i32>} : memref<65536xf32, #tpu.memory_space<vmem>>, vector<16xf32>,
      %swap3A_1619 = arith.index_cast %add3A_1590 : i32 to index
      %swap3A_1620 = tpu.vector_load %arg9[%swap3A_1619] {strides = array<i32>} : memref<65536xf32, #tpu.memory_space<vmem>>, vector<16xf32>,
      tpu.vector_store %arg9[%swap3A_1619], %gather3A_1592 {strides = array<i32>} : memref<65536xf32, #tpu.memory_space<vmem>>, vector<16xf32>,
      %eq3A = arith.constant 3 : i32
      %eq3A_1621 = arith.cmpi eq, %add3A_134, %eq3A : i32
      %convert_element_type3A = arith.extui %eq3A_1621 : i1 to i32
      %cond3A = arith.constant 0 : i32
      %cond3A_1622 = arith.cmpi ne, %convert_element_type3A, %cond3A : i32
      scf.if %cond3A_1622 {
        %mul3A_1653 = arith.constant 128 : i32
        %mul3A_1654 = arith.muli %mul3A_2, %mul3A_1653 : i32
        %add3A_1655 = arith.constant 0 : i32
        %add3A_1656 = arith.addi %mul3A_1654, %add3A_1655 : i32
        %dma_start3A_1657 = arith.constant 0 : i32
        %dma_start3A_1658 = tpu.memref_slice %arg9[%dma_start3A_1657] : memref<65536xf32, #tpu.memory_space<vmem>> -> memref<8192xf32, #tpu.memory_space<vmem>>
        %dma_start3A_1659 = tpu.memref_slice %arg5[%add3A_1656] : memref<2097152xf32, #tpu.memory_space<hbm>> -> memref<8192xf32, #tpu.memory_space<hbm>>
        %dma_start3A_1660 = tpu.memref_slice %arg5[%add3A_1656] : memref<2097152xf32, #tpu.memory_space<hbm>> -> memref<8192xf32, #tpu.memory_space<hbm>>
        %dma_start3A_1661 = arith.constant 0 : i32
        %dma_start3A_1662 = tpu.memref_slice %arg9[%dma_start3A_1661] : memref<65536xf32, #tpu.memory_space<vmem>> -> memref<8192xf32, #tpu.memory_space<vmem>>
        tpu.enqueue_dma source(%dma_start3A_1662 : memref<8192xf32, #tpu.memory_space<vmem>>) target(%dma_start3A_1660 : memref<8192xf32, #tpu.memory_space<hbm>>) target_semaphore(%arg10 : memref<!tpu.dma_semaphore, #tpu.memory_space<semaphore_mem>>)
      } else {
      }
      %eq3A_1623 = arith.constant 7 : i32
      %eq3A_1624 = arith.cmpi eq, %add3A_134, %eq3A_1623 : i32
      %convert_element_type3A_1625 = arith.extui %eq3A_1624 : i1 to i32
      %cond3A_1626 = arith.constant 0 : i32
      %cond3A_1627 = arith.cmpi ne, %convert_element_type3A_1625, %cond3A_1626 : i32
      scf.if %cond3A_1627 {
        %mul3A_1653 = arith.constant 128 : i32
        %mul3A_1654 = arith.muli %mul3A_2, %mul3A_1653 : i32
        %add3A_1655 = arith.constant 8192 : i32
        %add3A_1656 = arith.addi %mul3A_1654, %add3A_1655 : i32
        %dma_start3A_1657 = arith.constant 8192 : i32
        %dma_start3A_1658 = tpu.memref_slice %arg9[%dma_start3A_1657] : memref<65536xf32, #tpu.memory_space<vmem>> -> memref<8192xf32, #tpu.memory_space<vmem>>
        %dma_start3A_1659 = tpu.memref_slice %arg5[%add3A_1656] : memref<2097152xf32, #tpu.memory_space<hbm>> -> memref<8192xf32, #tpu.memory_space<hbm>>
        %dma_start3A_1660 = tpu.memref_slice %arg5[%add3A_1656] : memref<2097152xf32, #tpu.memory_space<hbm>> -> memref<8192xf32, #tpu.memory_space<hbm>>
        %dma_start3A_1661 = arith.constant 8192 : i32
        %dma_start3A_1662 = tpu.memref_slice %arg9[%dma_start3A_1661] : memref<65536xf32, #tpu.memory_space<vmem>> -> memref<8192xf32, #tpu.memory_space<vmem>>
        tpu.enqueue_dma source(%dma_start3A_1662 : memref<8192xf32, #tpu.memory_space<vmem>>) target(%dma_start3A_1660 : memref<8192xf32, #tpu.memory_space<hbm>>) target_semaphore(%arg10 : memref<!tpu.dma_semaphore, #tpu.memory_space<semaphore_mem>>)
      } else {
      }
      %eq3A_1628 = arith.constant 11 : i32
      %eq3A_1629 = arith.cmpi eq, %add3A_134, %eq3A_1628 : i32
      %convert_element_type3A_1630 = arith.extui %eq3A_1629 : i1 to i32
      %cond3A_1631 = arith.constant 0 : i32
      %cond3A_1632 = arith.cmpi ne, %convert_element_type3A_1630, %cond3A_1631 : i32
      scf.if %cond3A_1632 {
        %mul3A_1653 = arith.constant 128 : i32
        %mul3A_1654 = arith.muli %mul3A_2, %mul3A_1653 : i32
        %add3A_1655 = arith.constant 16384 : i32
        %add3A_1656 = arith.addi %mul3A_1654, %add3A_1655 : i32
        %dma_start3A_1657 = arith.constant 16384 : i32
        %dma_start3A_1658 = tpu.memref_slice %arg9[%dma_start3A_1657] : memref<65536xf32, #tpu.memory_space<vmem>> -> memref<8192xf32, #tpu.memory_space<vmem>>
        %dma_start3A_1659 = tpu.memref_slice %arg5[%add3A_1656] : memref<2097152xf32, #tpu.memory_space<hbm>> -> memref<8192xf32, #tpu.memory_space<hbm>>
        %dma_start3A_1660 = tpu.memref_slice %arg5[%add3A_1656] : memref<2097152xf32, #tpu.memory_space<hbm>> -> memref<8192xf32, #tpu.memory_space<hbm>>
        %dma_start3A_1661 = arith.constant 16384 : i32
        %dma_start3A_1662 = tpu.memref_slice %arg9[%dma_start3A_1661] : memref<65536xf32, #tpu.memory_space<vmem>> -> memref<8192xf32, #tpu.memory_space<vmem>>
        tpu.enqueue_dma source(%dma_start3A_1662 : memref<8192xf32, #tpu.memory_space<vmem>>) target(%dma_start3A_1660 : memref<8192xf32, #tpu.memory_space<hbm>>) target_semaphore(%arg10 : memref<!tpu.dma_semaphore, #tpu.memory_space<semaphore_mem>>)
      } else {
      }
      %eq3A_1633 = arith.constant 15 : i32
      %eq3A_1634 = arith.cmpi eq, %add3A_134, %eq3A_1633 : i32
      %convert_element_type3A_1635 = arith.extui %eq3A_1634 : i1 to i32
      %cond3A_1636 = arith.constant 0 : i32
      %cond3A_1637 = arith.cmpi ne, %convert_element_type3A_1635, %cond3A_1636 : i32
      scf.if %cond3A_1637 {
        %mul3A_1653 = arith.constant 128 : i32
        %mul3A_1654 = arith.muli %mul3A_2, %mul3A_1653 : i32
        %add3A_1655 = arith.constant 24576 : i32
        %add3A_1656 = arith.addi %mul3A_1654, %add3A_1655 : i32
        %dma_start3A_1657 = arith.constant 24576 : i32
        %dma_start3A_1658 = tpu.memref_slice %arg9[%dma_start3A_1657] : memref<65536xf32, #tpu.memory_space<vmem>> -> memref<8192xf32, #tpu.memory_space<vmem>>
        %dma_start3A_1659 = tpu.memref_slice %arg5[%add3A_1656] : memref<2097152xf32, #tpu.memory_space<hbm>> -> memref<8192xf32, #tpu.memory_space<hbm>>
        %dma_start3A_1660 = tpu.memref_slice %arg5[%add3A_1656] : memref<2097152xf32, #tpu.memory_space<hbm>> -> memref<8192xf32, #tpu.memory_space<hbm>>
        %dma_start3A_1661 = arith.constant 24576 : i32
        %dma_start3A_1662 = tpu.memref_slice %arg9[%dma_start3A_1661] : memref<65536xf32, #tpu.memory_space<vmem>> -> memref<8192xf32, #tpu.memory_space<vmem>>
        tpu.enqueue_dma source(%dma_start3A_1662 : memref<8192xf32, #tpu.memory_space<vmem>>) target(%dma_start3A_1660 : memref<8192xf32, #tpu.memory_space<hbm>>) target_semaphore(%arg10 : memref<!tpu.dma_semaphore, #tpu.memory_space<semaphore_mem>>)
      } else {
      }
      %eq3A_1638 = arith.constant 19 : i32
      %eq3A_1639 = arith.cmpi eq, %add3A_134, %eq3A_1638 : i32
      %convert_element_type3A_1640 = arith.extui %eq3A_1639 : i1 to i32
      %cond3A_1641 = arith.constant 0 : i32
      %cond3A_1642 = arith.cmpi ne, %convert_element_type3A_1640, %cond3A_1641 : i32
      scf.if %cond3A_1642 {
        %mul3A_1653 = arith.constant 128 : i32
        %mul3A_1654 = arith.muli %mul3A_2, %mul3A_1653 : i32
        %add3A_1655 = arith.constant 32768 : i32
        %add3A_1656 = arith.addi %mul3A_1654, %add3A_1655 : i32
        %dma_start3A_1657 = arith.constant 32768 : i32
        %dma_start3A_1658 = tpu.memref_slice %arg9[%dma_start3A_1657] : memref<65536xf32, #tpu.memory_space<vmem>> -> memref<8192xf32, #tpu.memory_space<vmem>>
        %dma_start3A_1659 = tpu.memref_slice %arg5[%add3A_1656] : memref<2097152xf32, #tpu.memory_space<hbm>> -> memref<8192xf32, #tpu.memory_space<hbm>>
        %dma_start3A_1660 = tpu.memref_slice %arg5[%add3A_1656] : memref<2097152xf32, #tpu.memory_space<hbm>> -> memref<8192xf32, #tpu.memory_space<hbm>>
        %dma_start3A_1661 = arith.constant 32768 : i32
        %dma_start3A_1662 = tpu.memref_slice %arg9[%dma_start3A_1661] : memref<65536xf32, #tpu.memory_space<vmem>> -> memref<8192xf32, #tpu.memory_space<vmem>>
        tpu.enqueue_dma source(%dma_start3A_1662 : memref<8192xf32, #tpu.memory_space<vmem>>) target(%dma_start3A_1660 : memref<8192xf32, #tpu.memory_space<hbm>>) target_semaphore(%arg10 : memref<!tpu.dma_semaphore, #tpu.memory_space<semaphore_mem>>)
      } else {
      }
      %eq3A_1643 = arith.constant 23 : i32
      %eq3A_1644 = arith.cmpi eq, %add3A_134, %eq3A_1643 : i32
      %convert_element_type3A_1645 = arith.extui %eq3A_1644 : i1 to i32
      %cond3A_1646 = arith.constant 0 : i32
      %cond3A_1647 = arith.cmpi ne, %convert_element_type3A_1645, %cond3A_1646 : i32
      scf.if %cond3A_1647 {
        %mul3A_1653 = arith.constant 128 : i32
        %mul3A_1654 = arith.muli %mul3A_2, %mul3A_1653 : i32
        %add3A_1655 = arith.constant 40960 : i32
        %add3A_1656 = arith.addi %mul3A_1654, %add3A_1655 : i32
        %dma_start3A_1657 = arith.constant 40960 : i32
        %dma_start3A_1658 = tpu.memref_slice %arg9[%dma_start3A_1657] : memref<65536xf32, #tpu.memory_space<vmem>> -> memref<8192xf32, #tpu.memory_space<vmem>>
        %dma_start3A_1659 = tpu.memref_slice %arg5[%add3A_1656] : memref<2097152xf32, #tpu.memory_space<hbm>> -> memref<8192xf32, #tpu.memory_space<hbm>>
        %dma_start3A_1660 = tpu.memref_slice %arg5[%add3A_1656] : memref<2097152xf32, #tpu.memory_space<hbm>> -> memref<8192xf32, #tpu.memory_space<hbm>>
        %dma_start3A_1661 = arith.constant 40960 : i32
        %dma_start3A_1662 = tpu.memref_slice %arg9[%dma_start3A_1661] : memref<65536xf32, #tpu.memory_space<vmem>> -> memref<8192xf32, #tpu.memory_space<vmem>>
        tpu.enqueue_dma source(%dma_start3A_1662 : memref<8192xf32, #tpu.memory_space<vmem>>) target(%dma_start3A_1660 : memref<8192xf32, #tpu.memory_space<hbm>>) target_semaphore(%arg10 : memref<!tpu.dma_semaphore, #tpu.memory_space<semaphore_mem>>)
      } else {
      }
      %eq3A_1648 = arith.constant 27 : i32
      %eq3A_1649 = arith.cmpi eq, %add3A_134, %eq3A_1648 : i32
      %convert_element_type3A_1650 = arith.extui %eq3A_1649 : i1 to i32
      %cond3A_1651 = arith.constant 0 : i32
      %cond3A_1652 = arith.cmpi ne, %convert_element_type3A_1650, %cond3A_1651 : i32
      scf.if %cond3A_1652 {
        %mul3A_1653 = arith.constant 128 : i32
        %mul3A_1654 = arith.muli %mul3A_2, %mul3A_1653 : i32
        %add3A_1655 = arith.constant 49152 : i32
        %add3A_1656 = arith.addi %mul3A_1654, %add3A_1655 : i32
        %dma_start3A_1657 = arith.constant 49152 : i32
        %dma_start3A_1658 = tpu.memref_slice %arg9[%dma_start3A_1657] : memref<65536xf32, #tpu.memory_space<vmem>> -> memref<8192xf32, #tpu.memory_space<vmem>>
        %dma_start3A_1659 = tpu.memref_slice %arg5[%add3A_1656] : memref<2097152xf32, #tpu.memory_space<hbm>> -> memref<8192xf32, #tpu.memory_space<hbm>>
        %dma_start3A_1660 = tpu.memref_slice %arg5[%add3A_1656] : memref<2097152xf32, #tpu.memory_space<hbm>> -> memref<8192xf32, #tpu.memory_space<hbm>>
        %dma_start3A_1661 = arith.constant 49152 : i32
        %dma_start3A_1662 = tpu.memref_slice %arg9[%dma_start3A_1661] : memref<65536xf32, #tpu.memory_space<vmem>> -> memref<8192xf32, #tpu.memory_space<vmem>>
        tpu.enqueue_dma source(%dma_start3A_1662 : memref<8192xf32, #tpu.memory_space<vmem>>) target(%dma_start3A_1660 : memref<8192xf32, #tpu.memory_space<hbm>>) target_semaphore(%arg10 : memref<!tpu.dma_semaphore, #tpu.memory_space<semaphore_mem>>)
      } else {
      }
    }
    %scan3A_55 = arith.constant 32 : i32
    %mul3A_56 = arith.constant 128 : i32
    %mul3A_57 = arith.muli %mul3A_2, %mul3A_56 : i32
    %add3A_58 = arith.constant 57344 : i32
    %add3A_59 = arith.addi %mul3A_57, %add3A_58 : i32
    "tpu.region"() ({
      %run_scoped3A = tpu.sem_alloc : memref<!tpu.dma_semaphore, #tpu.memory_space<semaphore_mem>>
      %dma_start3A_130 = arith.constant 57344 : i32
      %dma_start3A_131 = tpu.memref_slice %arg9[%dma_start3A_130] : memref<65536xf32, #tpu.memory_space<vmem>> -> memref<8192xf32, #tpu.memory_space<vmem>>
      %dma_start3A_132 = tpu.memref_slice %arg5[%add3A_59] : memref<2097152xf32, #tpu.memory_space<hbm>> -> memref<8192xf32, #tpu.memory_space<hbm>>
      %dma_start3A_133 = tpu.memref_slice %arg5[%add3A_59] : memref<2097152xf32, #tpu.memory_space<hbm>> -> memref<8192xf32, #tpu.memory_space<hbm>>
      %dma_start3A_134 = arith.constant 57344 : i32
      %dma_start3A_135 = tpu.memref_slice %arg9[%dma_start3A_134] : memref<65536xf32, #tpu.memory_space<vmem>> -> memref<8192xf32, #tpu.memory_space<vmem>>
      tpu.enqueue_dma source(%dma_start3A_135 : memref<8192xf32, #tpu.memory_space<vmem>>) target(%dma_start3A_133 : memref<8192xf32, #tpu.memory_space<hbm>>) target_semaphore(%run_scoped3A : memref<!tpu.dma_semaphore, #tpu.memory_space<semaphore_mem>>)
      %dma_wait3A_136 = arith.constant 57344 : i32
      %dma_wait3A_137 = tpu.memref_slice %arg9[%dma_wait3A_136] : memref<65536xf32, #tpu.memory_space<vmem>> -> memref<8192xf32, #tpu.memory_space<vmem>>
      %dma_wait3A_138 = tpu.memref_slice %arg5[%add3A_59] : memref<2097152xf32, #tpu.memory_space<hbm>> -> memref<8192xf32, #tpu.memory_space<hbm>>
      %dma_wait3A_139 = tpu.memref_slice %arg5[%add3A_59] : memref<2097152xf32, #tpu.memory_space<hbm>> -> memref<8192xf32, #tpu.memory_space<hbm>>
      %dma_wait3A_140 = arith.constant 57344 : i32
      %dma_wait3A_141 = tpu.memref_slice %arg9[%dma_wait3A_140] : memref<65536xf32, #tpu.memory_space<vmem>> -> memref<8192xf32, #tpu.memory_space<vmem>>
      tpu.wait_dma2 semaphore(%run_scoped3A : memref<!tpu.dma_semaphore, #tpu.memory_space<semaphore_mem>>) src(%dma_wait3A_141 : memref<8192xf32, #tpu.memory_space<vmem>>) dst(%dma_wait3A_139 : memref<8192xf32, #tpu.memory_space<hbm>>)
      tpu.yield
    }) : () -> ()
    %mul3A_60 = arith.constant 128 : i32
    %mul3A_61 = arith.muli %mul3A_2, %mul3A_60 : i32
    %add3A_62 = arith.constant 0 : i32
    %add3A_63 = arith.addi %mul3A_61, %add3A_62 : i32
    %dma_wait3A_64 = arith.constant 0 : i32
    %dma_wait3A_65 = tpu.memref_slice %arg9[%dma_wait3A_64] : memref<65536xf32, #tpu.memory_space<vmem>> -> memref<8192xf32, #tpu.memory_space<vmem>>
    %dma_wait3A_66 = tpu.memref_slice %arg5[%add3A_63] : memref<2097152xf32, #tpu.memory_space<hbm>> -> memref<8192xf32, #tpu.memory_space<hbm>>
    %dma_wait3A_67 = tpu.memref_slice %arg5[%add3A_63] : memref<2097152xf32, #tpu.memory_space<hbm>> -> memref<8192xf32, #tpu.memory_space<hbm>>
    %dma_wait3A_68 = arith.constant 0 : i32
    %dma_wait3A_69 = tpu.memref_slice %arg9[%dma_wait3A_68] : memref<65536xf32, #tpu.memory_space<vmem>> -> memref<8192xf32, #tpu.memory_space<vmem>>
    tpu.wait_dma2 semaphore(%arg10 : memref<!tpu.dma_semaphore, #tpu.memory_space<semaphore_mem>>) src(%dma_wait3A_69 : memref<8192xf32, #tpu.memory_space<vmem>>) dst(%dma_wait3A_67 : memref<8192xf32, #tpu.memory_space<hbm>>)
    %mul3A_70 = arith.constant 128 : i32
    %mul3A_71 = arith.muli %mul3A_2, %mul3A_70 : i32
    %add3A_72 = arith.constant 8192 : i32
    %add3A_73 = arith.addi %mul3A_71, %add3A_72 : i32
    %dma_wait3A_74 = arith.constant 8192 : i32
    %dma_wait3A_75 = tpu.memref_slice %arg9[%dma_wait3A_74] : memref<65536xf32, #tpu.memory_space<vmem>> -> memref<8192xf32, #tpu.memory_space<vmem>>
    %dma_wait3A_76 = tpu.memref_slice %arg5[%add3A_73] : memref<2097152xf32, #tpu.memory_space<hbm>> -> memref<8192xf32, #tpu.memory_space<hbm>>
    %dma_wait3A_77 = tpu.memref_slice %arg5[%add3A_73] : memref<2097152xf32, #tpu.memory_space<hbm>> -> memref<8192xf32, #tpu.memory_space<hbm>>
    %dma_wait3A_78 = arith.constant 8192 : i32
    %dma_wait3A_79 = tpu.memref_slice %arg9[%dma_wait3A_78] : memref<65536xf32, #tpu.memory_space<vmem>> -> memref<8192xf32, #tpu.memory_space<vmem>>
    tpu.wait_dma2 semaphore(%arg10 : memref<!tpu.dma_semaphore, #tpu.memory_space<semaphore_mem>>) src(%dma_wait3A_79 : memref<8192xf32, #tpu.memory_space<vmem>>) dst(%dma_wait3A_77 : memref<8192xf32, #tpu.memory_space<hbm>>)
    %mul3A_80 = arith.constant 128 : i32
    %mul3A_81 = arith.muli %mul3A_2, %mul3A_80 : i32
    %add3A_82 = arith.constant 16384 : i32
    %add3A_83 = arith.addi %mul3A_81, %add3A_82 : i32
    %dma_wait3A_84 = arith.constant 16384 : i32
    %dma_wait3A_85 = tpu.memref_slice %arg9[%dma_wait3A_84] : memref<65536xf32, #tpu.memory_space<vmem>> -> memref<8192xf32, #tpu.memory_space<vmem>>
    %dma_wait3A_86 = tpu.memref_slice %arg5[%add3A_83] : memref<2097152xf32, #tpu.memory_space<hbm>> -> memref<8192xf32, #tpu.memory_space<hbm>>
    %dma_wait3A_87 = tpu.memref_slice %arg5[%add3A_83] : memref<2097152xf32, #tpu.memory_space<hbm>> -> memref<8192xf32, #tpu.memory_space<hbm>>
    %dma_wait3A_88 = arith.constant 16384 : i32
    %dma_wait3A_89 = tpu.memref_slice %arg9[%dma_wait3A_88] : memref<65536xf32, #tpu.memory_space<vmem>> -> memref<8192xf32, #tpu.memory_space<vmem>>
    tpu.wait_dma2 semaphore(%arg10 : memref<!tpu.dma_semaphore, #tpu.memory_space<semaphore_mem>>) src(%dma_wait3A_89 : memref<8192xf32, #tpu.memory_space<vmem>>) dst(%dma_wait3A_87 : memref<8192xf32, #tpu.memory_space<hbm>>)
    %mul3A_90 = arith.constant 128 : i32
    %mul3A_91 = arith.muli %mul3A_2, %mul3A_90 : i32
    %add3A_92 = arith.constant 24576 : i32
    %add3A_93 = arith.addi %mul3A_91, %add3A_92 : i32
    %dma_wait3A_94 = arith.constant 24576 : i32
    %dma_wait3A_95 = tpu.memref_slice %arg9[%dma_wait3A_94] : memref<65536xf32, #tpu.memory_space<vmem>> -> memref<8192xf32, #tpu.memory_space<vmem>>
    %dma_wait3A_96 = tpu.memref_slice %arg5[%add3A_93] : memref<2097152xf32, #tpu.memory_space<hbm>> -> memref<8192xf32, #tpu.memory_space<hbm>>
    %dma_wait3A_97 = tpu.memref_slice %arg5[%add3A_93] : memref<2097152xf32, #tpu.memory_space<hbm>> -> memref<8192xf32, #tpu.memory_space<hbm>>
    %dma_wait3A_98 = arith.constant 24576 : i32
    %dma_wait3A_99 = tpu.memref_slice %arg9[%dma_wait3A_98] : memref<65536xf32, #tpu.memory_space<vmem>> -> memref<8192xf32, #tpu.memory_space<vmem>>
    tpu.wait_dma2 semaphore(%arg10 : memref<!tpu.dma_semaphore, #tpu.memory_space<semaphore_mem>>) src(%dma_wait3A_99 : memref<8192xf32, #tpu.memory_space<vmem>>) dst(%dma_wait3A_97 : memref<8192xf32, #tpu.memory_space<hbm>>)
    %mul3A_100 = arith.constant 128 : i32
    %mul3A_101 = arith.muli %mul3A_2, %mul3A_100 : i32
    %add3A_102 = arith.constant 32768 : i32
    %add3A_103 = arith.addi %mul3A_101, %add3A_102 : i32
    %dma_wait3A_104 = arith.constant 32768 : i32
    %dma_wait3A_105 = tpu.memref_slice %arg9[%dma_wait3A_104] : memref<65536xf32, #tpu.memory_space<vmem>> -> memref<8192xf32, #tpu.memory_space<vmem>>
    %dma_wait3A_106 = tpu.memref_slice %arg5[%add3A_103] : memref<2097152xf32, #tpu.memory_space<hbm>> -> memref<8192xf32, #tpu.memory_space<hbm>>
    %dma_wait3A_107 = tpu.memref_slice %arg5[%add3A_103] : memref<2097152xf32, #tpu.memory_space<hbm>> -> memref<8192xf32, #tpu.memory_space<hbm>>
    %dma_wait3A_108 = arith.constant 32768 : i32
    %dma_wait3A_109 = tpu.memref_slice %arg9[%dma_wait3A_108] : memref<65536xf32, #tpu.memory_space<vmem>> -> memref<8192xf32, #tpu.memory_space<vmem>>
    tpu.wait_dma2 semaphore(%arg10 : memref<!tpu.dma_semaphore, #tpu.memory_space<semaphore_mem>>) src(%dma_wait3A_109 : memref<8192xf32, #tpu.memory_space<vmem>>) dst(%dma_wait3A_107 : memref<8192xf32, #tpu.memory_space<hbm>>)
    %mul3A_110 = arith.constant 128 : i32
    %mul3A_111 = arith.muli %mul3A_2, %mul3A_110 : i32
    %add3A_112 = arith.constant 40960 : i32
    %add3A_113 = arith.addi %mul3A_111, %add3A_112 : i32
    %dma_wait3A_114 = arith.constant 40960 : i32
    %dma_wait3A_115 = tpu.memref_slice %arg9[%dma_wait3A_114] : memref<65536xf32, #tpu.memory_space<vmem>> -> memref<8192xf32, #tpu.memory_space<vmem>>
    %dma_wait3A_116 = tpu.memref_slice %arg5[%add3A_113] : memref<2097152xf32, #tpu.memory_space<hbm>> -> memref<8192xf32, #tpu.memory_space<hbm>>
    %dma_wait3A_117 = tpu.memref_slice %arg5[%add3A_113] : memref<2097152xf32, #tpu.memory_space<hbm>> -> memref<8192xf32, #tpu.memory_space<hbm>>
    %dma_wait3A_118 = arith.constant 40960 : i32
    %dma_wait3A_119 = tpu.memref_slice %arg9[%dma_wait3A_118] : memref<65536xf32, #tpu.memory_space<vmem>> -> memref<8192xf32, #tpu.memory_space<vmem>>
    tpu.wait_dma2 semaphore(%arg10 : memref<!tpu.dma_semaphore, #tpu.memory_space<semaphore_mem>>) src(%dma_wait3A_119 : memref<8192xf32, #tpu.memory_space<vmem>>) dst(%dma_wait3A_117 : memref<8192xf32, #tpu.memory_space<hbm>>)
    %mul3A_120 = arith.constant 128 : i32
    %mul3A_121 = arith.muli %mul3A_2, %mul3A_120 : i32
    %add3A_122 = arith.constant 49152 : i32
    %add3A_123 = arith.addi %mul3A_121, %add3A_122 : i32
    %dma_wait3A_124 = arith.constant 49152 : i32
    %dma_wait3A_125 = tpu.memref_slice %arg9[%dma_wait3A_124] : memref<65536xf32, #tpu.memory_space<vmem>> -> memref<8192xf32, #tpu.memory_space<vmem>>
    %dma_wait3A_126 = tpu.memref_slice %arg5[%add3A_123] : memref<2097152xf32, #tpu.memory_space<hbm>> -> memref<8192xf32, #tpu.memory_space<hbm>>
    %dma_wait3A_127 = tpu.memref_slice %arg5[%add3A_123] : memref<2097152xf32, #tpu.memory_space<hbm>> -> memref<8192xf32, #tpu.memory_space<hbm>>
    %dma_wait3A_128 = arith.constant 49152 : i32
    %dma_wait3A_129 = tpu.memref_slice %arg9[%dma_wait3A_128] : memref<65536xf32, #tpu.memory_space<vmem>> -> memref<8192xf32, #tpu.memory_space<vmem>>
    tpu.wait_dma2 semaphore(%arg10 : memref<!tpu.dma_semaphore, #tpu.memory_space<semaphore_mem>>) src(%dma_wait3A_129 : memref<8192xf32, #tpu.memory_space<vmem>>) dst(%dma_wait3A_127 : memref<8192xf32, #tpu.memory_space<hbm>>)
    return
  }
}

</mosaic_0001>

<sc_bundles>
// kernel: kernel.3.cloned.1.call-start
scs
__scs_entry_jumppad:
0x0: {  	(pc) =	sbr.rel $0x88, $3  }
0x1: {  	(tag) =	ssettag $0x0;
	lr =	simm.s32 $0x1  }
0x2: {  	[smem:$0x3F9D] =	sst lr;
	_ =	strace $0xD0000000  }
0x3: {  	_ = 	snop  }
0x4: {  	_ = 	snop  }
0x5: {  	_ = 	snop  }
0x6: {  	_ = 	snop  }
0x7: {  	_ = 	snop  }
__scs_overlays_trampoline_lowered:
0x8: {  	[smem:$0x3FAC] =	sst s0  }
0x9: {  	[smem:$0x3FAD] =	sst s1  }
0xa: {  	[smem:$0x3FAE] =	sst s2  }
0xb: {  	[smem:$0x3FAF] =	sst s3  }
0xc: {  	[smem:$0x3FB0] =	sst s4  }
0xd: {  	[smem:$0x3FB1] =	sst s5  }
0xe: {  	[smem:$0x3FB2] =	sst s6  }
0xf: {  	[smem:$0x3FB3] =	sst s7  }
0x10: {  	[smem:$0x3FB4] =	sst s8  }
0x11: {  	[smem:$0x3FB5] =	sst s9;
	s0 =	simm.s32 @!p0 $0x0  }
0x12: {  	s1 =	sld [smem:$0x3F9B];
	s0 =	simm.s32 @p0 $0x1  }
0x13: {  	[smem:$0x3FB6] =	sst s0;
	s0 =	simm.s32 @!p1 $0x0  }
0x14: {  	s2 =	sld [smem:$0x3F9A];
	s0 =	simm.s32 @p1 $0x1  }
0x15: {  	[smem:$0x3FB7] =	sst s0;
	s0 =	simm.s32 @!p2 $0x0  }
0x16: {  	s3 =	sld [smem:$0x3FDB];
	s0 =	simm.s32 @p2 $0x1  }
0x17: {  	s4 =	simm.s32 $0x1BF5;
	[smem:$0x3FB9] =	sst s0  }
0x18: {  	s0 =	sld [smem:$0x3F9C];
	_ =	swait.ge [sflag:s4], $0x0  }
0x19: {  	s7 =	sld [smem:$0x3F9D]  }
0x1a: {  	s8 =	sadd.s32 $0xFFFFE003, lr  }
0x1b: {  	s9 =	sadd.s32 $0xFFFFFEF7, lr;
	s5 =	simm.s32 $0xFFFFFFFF;
	p2 =	slt.u32 s8, $0xFFFFF086  }
0x1c: {  	p1 =	slt.u32 s9, $0xF7A;
	s5 =	simm.s32 @!p2 $0x0  }
0x1d: {  	s5 =	simm.s32 @p1 $0x1;
	p0 =	seq.s32 s7, s2  }
0x1e: {  	s7 =	smul.u32 @!p0 $0xF7A, s2;
	p2 =	seq.s32 @!p0 s5, $0x0  }
0x1f: {  	s9 =	smul.u32 $0xF7A, s1;
	s8 =	simm.s32 @!p0 $0x1BF5;
	p2 =	por !p2, p0  }
0x20: {  	[sflag:s8] =	ssyncset.s32 @!p0 $0xFFFFF086;
	s6 =	sadd.s32 @!p0 s3, s7;
	s7 =	simm.s32 @!p0 $0x108  }
0x21: {  	s3 =	sadd.s32 s3, s9;
	s6 =	sadd.s32 @!p0 $0x88, s6;
	s7 =	simm.s32 @p2 $0x1082  }
0x22: {  	[simem:s7], [sflag:s8] =	dma.local @!p0 [hbm:s6], $0xF7A  }
0x23: {  	s9 =	sor.u32 $0xD0000000, s2;
	s6 =	simm.s32 $0x108;
	_ =	swait.ge @!p0 [sflag:s8], $0x0  }
0x24: {  	s3 =	sadd.s32 $0x88, s3;
	s6 =	simm.s32 @!p1 $0x1082;
	[sflag:s4] =	ssyncset.s32 $0xFFFFF086  }
0x25: {  	[simem:s6], [sflag:s4] =	dma.local [hbm:s3], $0xF7A  }
0x26: {  	[smem:$0x3F9D] =	sst s1;
	(tag) =	ssettag s2;
	_ =	strace s9  }
0x27: {  	s1 =	sld [smem:$0x3FAD]  }
0x28: {  	s2 =	sld [smem:$0x3FAE]  }
0x29: {  	s4 =	sld [smem:$0x3FB0]  }
0x2a: {  	p0 =	seq.s32 s5, $0x0;
	s5 =	sld [smem:$0x3FB1]  }
0x2b: {  	s6 =	sld [smem:$0x3FB2]  }
0x2c: {  	s7 =	sld [smem:$0x3FB3]  }
0x2d: {  	s3 =	simm.s32 $0x108;
	s8 =	sld [smem:$0x3FB4]  }
0x2e: {  	s3 =	simm.s32 @!p0 $0x1082;
	s9 =	sld [smem:$0x3FB5]  }
0x2f: {  	lr =	sadd.s32 s0, s3;
	s0 =	sld [smem:$0x3FAC]  }
0x30: {  	s3 =	sld [smem:$0x3FAF]  }
0x31: {  	[smem:$0x3FB8] =	sst s10  }
0x32: {  	s10 =	sld [smem:$0x3FB6];
	_ =	sdelay $0x3  }
0x33: {  	p0 =	seq.s32 s10, $0x1;
	s10 =	sld [smem:$0x3FB8];
	_ =	sdelay $0x3  }
0x34: {  	[smem:$0x3FB8] =	sst s10  }
0x35: {  	s10 =	sld [smem:$0x3FB7];
	_ =	sdelay $0x3  }
0x36: {  	p1 =	seq.s32 s10, $0x1;
	s10 =	sld [smem:$0x3FB8];
	_ =	sdelay $0x3  }
0x37: {  	[smem:$0x3FB8] =	sst s10  }
0x38: {  	s10 =	sld [smem:$0x3FB9]  }
0x39: {  	_ = 	snop;
	(pc) =	sbr.ind lr, $3  }
0x3a: {  	_ = 	snop  }
0x3b: {  	_ = 	snop  }
0x3c: {  	p2 =	seq.s32 s10, $0x1;
	s10 =	sld [smem:$0x3FB8]  }
0x3d: {  	_ =	shalt  }
0x3e: {  	_ =	shalt  }
0x3f: {  	_ =	shalt  }
0x40: {  	_ =	shalt  }
0x41: {  	_ =	shalt  }
0x42: {  	_ =	shalt  }
0x43: {  	_ =	shalt  }
0x44: {  	_ =	shalt  }
0x45: {  	_ =	shalt  }
0x46: {  	_ =	shalt  }
0x47: {  	_ =	shalt  }
0x48: {  	_ =	shalt  }
0x49: {  	_ =	shalt  }
0x4a: {  	_ =	shalt  }
0x4b: {  	_ =	shalt  }
0x4c: {  	_ =	shalt  }
0x4d: {  	_ =	shalt  }
0x4e: {  	_ =	shalt  }
0x4f: {  	_ =	shalt  }
0x50: {  	_ =	shalt  }
0x51: {  	_ =	shalt  }
0x52: {  	_ =	shalt  }
0x53: {  	_ =	shalt  }
0x54: {  	_ =	shalt  }
0x55: {  	_ =	shalt  }
0x56: {  	_ =	shalt  }
0x57: {  	_ =	shalt  }
0x58: {  	_ =	shalt  }
0x59: {  	_ =	shalt  }
0x5a: {  	_ =	shalt  }
0x5b: {  	_ =	shalt  }
0x5c: {  	_ =	shalt  }
0x5d: {  	_ =	shalt  }
0x5e: {  	_ =	shalt  }
0x5f: {  	_ =	shalt  }
0x60: {  	_ =	shalt  }
0x61: {  	_ =	shalt  }
0x62: {  	_ =	shalt  }
0x63: {  	_ =	shalt  }
0x64: {  	_ =	shalt  }
0x65: {  	_ =	shalt  }
0x66: {  	_ =	shalt  }
0x67: {  	_ =	shalt  }
0x68: {  	_ =	shalt  }
0x69: {  	_ =	shalt  }
0x6a: {  	_ =	shalt  }
0x6b: {  	_ =	shalt  }
0x6c: {  	_ =	shalt  }
0x6d: {  	_ =	shalt  }
0x6e: {  	_ =	shalt  }
0x6f: {  	_ =	shalt  }
0x70: {  	_ =	shalt  }
0x71: {  	_ =	shalt  }
0x72: {  	_ =	shalt  }
0x73: {  	_ =	shalt  }
0x74: {  	_ =	shalt  }
0x75: {  	_ =	shalt  }
0x76: {  	_ =	shalt  }
0x77: {  	_ =	shalt  }
0x78: {  	_ =	shalt  }
0x79: {  	_ =	shalt  }
0x7a: {  	_ =	shalt  }
0x7b: {  	_ =	shalt  }
0x7c: {  	_ =	shalt  }
0x7d: {  	_ =	shalt  }
0x7e: {  	_ =	shalt  }
0x7f: {  	_ =	shalt  }
0x80: {  	_ =	shalt  }
0x81: {  	_ =	shalt  }
0x82: {  	_ =	shalt  }
0x83: {  	_ =	shalt  }
0x84: {  	_ =	shalt  }
0x85: {  	_ =	shalt  }
0x86: {  	_ =	shalt  }
0x87: {  	_ =	shalt  }
.Lfunc_end0:
.L_simem_size_0:
called_computation_lowered:
.L_overlay_start_0:
0x88: {  	s2 =	sld [smem:$0x3FD9]  }
0x89: {  	s3 =	sld [smem:$0x3FFE];
	_ =	sdelay $0x1  }
0x8a: {  	s1 =	srdreg.scid  }
0x8b: {  	s0 =	sand.u32 $0x1, s1  }
0x8c: {  	s17 =	sshll.u32 s0, $0xA;
	s2 =	sadd.s32 s3, s2  }
0x8d: {  	s2 =	sadd.s32 s2, s17  }
0x8e: {  	[smem:$0x3FC4] =	sst s2  }
0x8f: {  	_ = 	snop  }
0x90: {  	s2 =	sld [smem:$0x3FC9]  }
0x91: {  	s18 =	sld [smem:$0x3FC8]  }
0x92: {  	s4 =	sld [smem:$0x3FD0];
	(tm) =	ssettm $0x1  }
0x93: {  	s5 =	sld [smem:$0x3FFB];
	_ =	sdelay $0x3  }
0x94: {  	_ =	strace s5  }
0x95: {  	s5 =	sld [smem:$0x3FFC];
	_ =	sdelay $0x3  }
0x96: {  	_ =	strace s5  }
0x97: {  	s5 =	sld [smem:$0x3FFD];
	_ =	sdelay $0x3  }
0x98: {  	_ =	strace s5  }
0x99: {  	_ =	strace $0x8FFFFFFF  }
0x9a: {  	s19 =	sld [smem:$0x3FDB];
	_ =	sdelay $0x1  }
0x9b: {  	s6 =	simm.s32 $_scs_section_size  }
0x9c: {  	s7 =	simm.s32 $_size__tile_overlayer_lowered;
	s8 =	simm.s32 $_tile_overlayer_lowered  }
0x9d: {  	s22 =	simm.s32 $0x1BFF;
	s21 =	sshll.u32 s8, $0x1;
	s5 =	sadd.s32 s6, s19  }
0x9e: {  	s9 =	simm.s32 $0x0;
	s20 =	sshll.u32 s7, $0x1;
	s7 =	sadd.s32 s21, s5  }
0x9f: {  	[timem:s9], [sflag:s22] =	dma.local [hbm:s7], s20  }
0xa0: {  	_ =	swait.ge [sflag:s22], s20  }
0xa1: {  	s6 =	ssub.s32 $0x0, s20;
	[sflag:s22] =	ssyncset.done $0x0  }
0xa2: {  	[sflag:s22] =	ssyncadd.s32 s6;
	_ =	sdelay $0x1  }
0xa3: {  	s23 =	simm.s32 $0x1B8B  }
0xa4: {  	_ =	swait.ge [sflag:s23], $0x1  }
0xa5: {  	[sflag:s23] =	ssyncset.done $0x0  }
0xa6: {  	s25 =	simm.s32 $0x1B8E;
	s24 =	sld [smem:$0x3FFE];
	[sflag:s23] =	ssyncadd.s32 $0xFFFFFFFF  }
0xa7: {  	s26 =	simm.s32 $execute0_lowered;
	[smem:$0x3FD2] =	sst s25  }
0xa8: {  	s7 =	sshll.u32 s26, $0x1;
	_ =	strace $0x80000046;
	[dreg:$0x1] =	wrdreg $0xFFFFFFFF  }
0xa9: {  	s28 =	simm.s32 $_size_execute0_lowered;
	s5 =	sadd.s32 s5, s7;
	[dreg:$0x0] =	wrdreg $0x0  }
0xaa: {  	s7 =	sshll.u32 s28, $0x1;
	[dreg:$0x2] =	wrdreg s5  }
0xab: {  	[dreg:$0x3] =	wrdreg s7  }
0xac: {  	[dreg:$0x4] =	wrdreg $0xC0  }
0xad: {  	_ =	task [dreg:s9], $0x5FFFF  }
0xae: {  	[dreg:$0x1] =	wrdreg $0xFFFFFFFF  }
0xaf: {  	[dreg:$0x0] =	wrdreg $0x60  }
0xb0: {  	[dreg:$0x2] =	wrdreg s24  }
0xb1: {  	[dreg:$0x3] =	wrdreg s2  }
0xb2: {  	[dreg:$0x4] =	wrdreg s18  }
0xb3: {  	[dreg:$0x5] =	wrdreg s4  }
0xb4: {  	[dreg:$0x6] =	wrdreg $0x9  }
0xb5: {  	_ =	task.clear_ibuf [dreg:s9], $0x7FFFF;
	_ =	strace $0x90000046  }
0xb6: {  	s29 =	simm.s32 $0x9;
	_ =	strace $0x80000048  }
0xb7: {  	_ =	swait.ge [sflag:s29], $0x1  }
0xb8: {  	[sflag:s29] =	ssyncadd.s32 $0xFFFFFFFF  }
0xb9: {  	_ =	strace $0x90000048  }
0xba: {  	_ =	sfence  }
0xbb: {  	s30 =	sld [smem:$0x0];
	_ =	sdelay $0x2  }
0xbc: {  	s31 =	sshll.u32 s1, $0xD;
	s1 =	sshrl.u32 s1, $0x2  }
0xbd: {  	s3 =	sand.u32 $0x4000, s31;
	s1 =	sadd.s32 s1, s30  }
0xbe: {  	s0 =	sor.u32 s3, s0;
	s1 =	sshll.u32 s1, $0x11  }
0xbf: {  	s0 =	sor.u32 s1, s0  }
0xc0: {  	s0 =	sadd.s32 $0x8F2B, s0  }
0xc1: {  	[sflag:s0] =	ssyncadd.remote.s32 $0x1  }
0xc2: {  	_ =	sfence.sel $0xFFFF  }
0xc3: {  	[dreg:$0x0] =	wrdreg $0xFFFFFFFF;
	(pc) =	sbr.abs _section_cstart, $3  }
0xc4: {  	[dreg:$0x1] =	wrdreg $0xFFFFFFFF  }
0xc5: {  	_ =	task.clear_ibuf [dreg:s9], $0x2FFFF;
	_ =	strace $0x9FFFFFFF  }
0xc6: {  	(tm) =	ssettm $0x7FFFFFFF  }
0xc7: {  	_ =	shalt  }
tec
execute0_lowered:
.L_overlay_start_1:
0x0: {  	(tag) =	ssettag $0x1  }
0x1: {  	s3 =	rddreg [dreg:$0x0]  }
0x2: {  	s4 =	rddreg [dreg:$0x1]  }
0x3: {  	s5 =	rddreg [dreg:$0x2]  }
0x4: {  	s6 =	rddreg [dreg:$0x3]  }
0x5: {  	s0 =	rddreg [dreg:$0x4]  }
0x6: {  	s2 =	simm.s32 $0x0;
	s7 =	srdreg.scid;
	s1 =	stileid.u32  }
0x7: {  	s15 =	simm.s32 $0x1;
	s16 =	simm.s32 $0xED00;
	s17 =	simm.s32 $0x2  }
0x8: {  	s18 =	simm.s32 $0x0;
	[smem:$0x7FF] =	sst s2;
	s7 =	sand.u32 $0x1, s7  }
0x9: {  	v0 =	vimm.s32 $0x6;
	v1 =	vlaneseq.u32;
	s9 =	sshll.u32 s1, $0x1;
	s3 =	sadd.s32 $0x400, s3;
	s8 =	ssub.s32 $0x2, s7  }
0xa: {  	v2 =	vimm.s32 $0x0;
	v6 =	vimm.s32 $0x1;
	v7 =	vimm.s32 $0x2;
	_ =	strace $0x80000047;
	s7 =	sor.u32 s7, s9;
	s10 =	sshrl.u32 s8, $0x1  }
.Ltmp0:
0xb: {  	v8 =	vimm.s32 $0x3;
	v9 =	vimm.s32 $0x4;
	v10 =	vimm.s32 $0x5;
	s31 =	sshll.u32 s7, $0x6;
	s7 =	sshll.u32 s7, $0xD;
	(pc) =	sbr.rel .LBB2_1-.Ltmp0, $4  }
0xc: {  	v11 =	vimm.s32 $0x7;
	v12 =	vimm.s32 $0x8;
	v13 =	vimm.s32 $0x9;
	s14 =	ssub.s32 s8, s10;
	s4 =	sadd.s32 s4, s31;
	s6 =	sadd.s32 s6, s7  }
0xd: {  	v14 =	vimm.s32 $0xA;
	v15 =	vimm.s32 $0xB;
	v16 =	vimm.s32 $0xC;
	s5 =	sadd.s32 s5, s31;
	s7 =	sadd.s32 $0x1800, s6;
	s8 =	sadd.s32 $0x1400, s6  }
0xe: {  	v17 =	vimm.s32 $0xD;
	v18 =	vimm.s32 $0xE;
	v19 =	vimm.s32 $0xF;
	s9 =	sadd.s32 $0x1000, s6;
	s10 =	sadd.s32 $0xC00, s6;
	s11 =	sadd.s32 $0x800, s6  }
0xf: {  	v3 =	vor.u32 $0x10, v1;
	v4 =	vor.u32 $0x20, v1;
	v5 =	vor.u32 $0x30, v1;
	s12 =	sadd.s32 $0x400, s6;
	s13 =	sadd.s32 $0x1C00, s6;
	s14 =	smax.u32 s14, $0x1  }
.LBB2_20:
0x10: {  	[hbm4b:s13+s2] =	stream.linear.scatter [tilespmem:s16], [sflag:$0x2], $0x2000, $0x38;
	[tilespmem:$0x10D00] =	vst v63  }
0x11: {  	_ =	swait.ge [sflag:s17], $0x2000  }
0x12: {  	[sflag:s17] =	ssyncset.done $0x0  }
0x13: {  	[sflag:s17] =	ssyncadd.s32 $0xFFFFE000  }
0x14: {  	_ =	swait.ge [sflag:s15], $0x2000  }
0x15: {  	[sflag:s15] =	ssyncset.done $0x0  }
0x16: {  	[sflag:s15] =	ssyncadd.s32 $0xFFFFE000  }
0x17: {  	_ =	swait.ge [sflag:s15], $0x2000  }
0x18: {  	[sflag:s15] =	ssyncset.done $0x0  }
0x19: {  	[sflag:s15] =	ssyncadd.s32 $0xFFFFE000  }
0x1a: {  	_ =	swait.ge [sflag:s15], $0x2000  }
0x1b: {  	[sflag:s15] =	ssyncset.done $0x0  }
0x1c: {  	[sflag:s15] =	ssyncadd.s32 $0xFFFFE000  }
0x1d: {  	_ =	swait.ge [sflag:s15], $0x2000  }
0x1e: {  	[sflag:s15] =	ssyncset.done $0x0  }
0x1f: {  	[sflag:s15] =	ssyncadd.s32 $0xFFFFE000  }
0x20: {  	_ =	swait.ge [sflag:s15], $0x2000  }
0x21: {  	[sflag:s15] =	ssyncset.done $0x0  }
0x22: {  	s18 =	sadd.s32 $0x1, s18;
	[sflag:s15] =	ssyncadd.s32 $0xFFFFE000  }
0x23: {  	p0 =	sne.s32 s18, s14;
	_ =	swait.ge [sflag:s15], $0x2000  }
.Ltmp1:
0x24: {  	[sflag:s15] =	ssyncset.done $0x0;
	(pc) =	sbr.rel @!p0 .LBB2_21-.Ltmp1, $4  }
0x25: {  	[sflag:s15] =	ssyncadd.s32 $0xFFFFE000  }
0x26: {  	_ =	swait.ge [sflag:s15], $0x2000  }
0x27: {  	[sflag:s15] =	ssyncset.done $0x0  }
0x28: {  	[sflag:s15] =	ssyncadd.s32 $0xFFFFE000  }
.LBB2_1:
0x29: {  	[tilespmem:s2], [sflag:$0x1] =	stream.linear.gather [hbm4b:s3+s2], $0x900, $0x38;
	[tilespmem:$0x10D00] =	vst v63  }
0x2a: {  	s19 =	simm.s32 $0x900  }
0x2b: {  	[tilespmem:s19], [sflag:$0x1] =	stream.linear.gather [hbm4b:s4+s2], $0x200, $0x38;
	[tilespmem:$0x10D00] =	vst v63  }
0x2c: {  	s20 =	simm.s32 $0xB00  }
0x2d: {  	[tilespmem:s20], [sflag:$0x1] =	stream.linear.gather [hbm4b:s5+s2], $0x200, $0x38;
	[tilespmem:$0x10D00] =	vst v63  }
0x2e: {  	_ =	swait.ge [sflag:s15], $0x900  }
0x2f: {  	[sflag:s15] =	ssyncset.done $0x0  }
0x30: {  	[sflag:s15] =	ssyncadd.s32 $0xFFFFF700  }
0x31: {  	_ =	swait.ge [sflag:s15], $0x200  }
.Ltmp2:
0x32: {  	[sflag:s15] =	ssyncset.done $0x0;
	(pc) =	sbr.rel .LBB2_2-.Ltmp2, $4  }
0x33: {  	[sflag:s15] =	ssyncadd.s32 $0xFFFFFE00  }
0x34: {  	_ =	swait.ge [sflag:s15], $0x200  }
0x35: {  	[sflag:s15] =	ssyncset.done $0x0  }
0x36: {  	s21 =	simm.s32 $0x1100;
	s22 =	simm.s32 $0x0;
	[sflag:s15] =	ssyncadd.s32 $0xFFFFFE00  }
.LBB2_4:
0x37: {  	s23 =	simm.s32 $0xD00;
	s24 =	smov.u32 s6  }
.LBB2_18:
0x38: {  	[hbm4b:s24+s2] =	stream.linear.scatter [tilespmem:s23], [sflag:$0x1], $0x2000, $0x38;
	[tilespmem:$0x10D00] =	vst v63  }
.LBB2_19:
0x39: {  	s22 =	sadd.s32 $0x1, s22  }
0x3a: {  	p0 =	sne.s32 s22, $0x20  }
.Ltmp3:
0x3b: {  	_ = 	snop;
	(pc) =	sbr.rel @!p0 .LBB2_20-.Ltmp3, $2  }
0x3c: {  	_ =	sdelay $0x2  }
0x3d: {  	s19 =	sadd.s32 $0x10, s19;
	s20 =	sadd.s32 $0x10, s20;
	s21 =	sadd.s32 $0x800, s21  }
.LBB2_2:
0x3e: {  	v20 =	vld [tilespmem:s19+$0x0];
	_ =	sdelay $0x4  }
0x3f: {  	v20 =	vshll.u32 v20, $0x6  }
0x40: {  	v21 =	vld [tilespmem:s20+$0x0];
	v22 =	vperm.xlane v20, v2;
	_ =	sdelay $0x1  }
0x41: {  	v24 =	vadd.s32 v1, v22  }
0x42: {  	v26 =	vadd.s32 v3, v22  }
0x43: {  	v30 =	vperm.xlane v20, v6;
	v28 =	vadd.s32 v4, v22  }
0x44: {  	v21 =	vshll.u32 v21, $0x6;
	v22 =	vadd.s32 v5, v22  }
0x45: {  	v21 =	vadd.s32 $0x300, v21;
	v32 =	vadd.s32 v1, v30  }
0x46: {  	v23 =	vperm.xlane v21, v2;
	v34 =	vadd.s32 v3, v30;
	v24 =	vld.idx.msk [tilespmem:v24+s2+$0x0], $0xffff  }
0x47: {  	v36 =	vadd.s32 v4, v30;
	v26 =	vld.idx.msk [tilespmem:v26+s2+$0x0], $0xffff  }
0x48: {  	v25 =	vadd.s32 v1, v23;
	v28 =	vld.idx.msk [tilespmem:v28+s2+$0x0], $0xffff  }
0x49: {  	v27 =	vadd.s32 v3, v23;
	v22 =	vld.idx.msk [tilespmem:v22+s2+$0x0], $0xffff  }
0x4a: {  	v31 =	vperm.xlane v21, v6;
	v29 =	vadd.s32 v4, v23;
	v32 =	vld.idx.msk [tilespmem:v32+s2+$0x0], $0xffff  }
0x4b: {  	v23 =	vadd.s32 v5, v23;
	v34 =	vld.idx.msk [tilespmem:v34+s2+$0x0], $0xffff  }
0x4c: {  	v33 =	vadd.s32 v1, v31;
	v36 =	vld.idx.msk [tilespmem:v36+s2+$0x0], $0xffff  }
0x4d: {  	v35 =	vadd.s32 v3, v31;
	v25 =	vld.idx.msk [tilespmem:v25+s2+$0x0], $0xffff  }
0x4e: {  	v37 =	vadd.s32 v4, v31;
	v27 =	vld.idx.msk [tilespmem:v27+s2+$0x0], $0xffff  }
0x4f: {  	v29 =	vld.idx.msk [tilespmem:v29+s2+$0x0], $0xffff  }
0x50: {  	v30 =	vadd.s32 v5, v30;
	v23 =	vld.idx.msk [tilespmem:v23+s2+$0x0], $0xffff  }
0x51: {  	v38 =	vperm.xlane v20, v7;
	v31 =	vadd.s32 v5, v31;
	v33 =	vld.idx.msk [tilespmem:v33+s2+$0x0], $0xffff  }
0x52: {  	v45 =	vperm.xlane v21, v7;
	v35 =	vld.idx.msk [tilespmem:v35+s2+$0x0], $0xffff  }
0x53: {  	v46 =	vadd.s32 v1, v38;
	v37 =	vld.idx.msk [tilespmem:v37+s2+$0x0], $0xffff;
	[tilespmem:s21+$0xFFFFFC00] =	vst v24  }
0x54: {  	v39 =	vadd.s32 v1, v45;
	[tilespmem:s21+$0xFFFFFC40] =	vst v25  }
0x55: {  	v30 =	vld.idx.msk [tilespmem:v30+s2+$0x0], $0xffff  }
0x56: {  	v47 =	vadd.s32 v3, v38;
	v31 =	vld.idx.msk [tilespmem:v31+s2+$0x0], $0xffff;
	[tilespmem:s21+$0xFFFFFC10] =	vst v26  }
0x57: {  	v48 =	vadd.s32 v3, v45;
	[tilespmem:s21+$0xFFFFFC50] =	vst v27  }
0x58: {  	v25 =	vld.idx.msk [tilespmem:v46+s2+$0x0], $0xffff  }
0x59: {  	v49 =	vadd.s32 v4, v38;
	v39 =	vld.idx.msk [tilespmem:v39+s2+$0x0], $0xffff;
	[tilespmem:s21+$0xFFFFFC20] =	vst v28  }
0x5a: {  	v50 =	vadd.s32 v4, v45;
	[tilespmem:s21+$0xFFFFFC60] =	vst v29  }
0x5b: {  	v26 =	vld.idx.msk [tilespmem:v47+s2+$0x0], $0xffff  }
0x5c: {  	v51 =	vadd.s32 v5, v38;
	v27 =	vld.idx.msk [tilespmem:v48+s2+$0x0], $0xffff;
	[tilespmem:s21+$0xFFFFFC30] =	vst v22  }
0x5d: {  	v53 =	vperm.xlane v20, v8;
	v24 =	vadd.s32 v5, v45;
	[tilespmem:s21+$0xFFFFFC70] =	vst v23  }
0x5e: {  	v54 =	vperm.xlane v21, v8;
	v23 =	vld.idx.msk [tilespmem:v49+s2+$0x0], $0xffff  }
0x5f: {  	v55 =	vadd.s32 v1, v53;
	v52 =	vld.idx.msk [tilespmem:v50+s2+$0x0], $0xffff;
	[tilespmem:s21+$0xFFFFFC80] =	vst v32  }
0x60: {  	v56 =	vadd.s32 v1, v54;
	[tilespmem:s21+$0xFFFFFCC0] =	vst v33  }
0x61: {  	v22 =	vld.idx.msk [tilespmem:v51+s2+$0x0], $0xffff  }
0x62: {  	v57 =	vadd.s32 v3, v53;
	v24 =	vld.idx.msk [tilespmem:v24+s2+$0x0], $0xffff;
	[tilespmem:s21+$0xFFFFFC90] =	vst v34  }
0x63: {  	v58 =	vadd.s32 v3, v54;
	[tilespmem:s21+$0xFFFFFCD0] =	vst v35  }
0x64: {  	v33 =	vld.idx.msk [tilespmem:v55+s2+$0x0], $0xffff  }
0x65: {  	v59 =	vadd.s32 v4, v53;
	v38 =	vld.idx.msk [tilespmem:v56+s2+$0x0], $0xffff;
	[tilespmem:s21+$0xFFFFFCA0] =	vst v36  }
0x66: {  	v60 =	vadd.s32 v4, v54;
	[tilespmem:s21+$0xFFFFFCE0] =	vst v37  }
0x67: {  	v34 =	vld.idx.msk [tilespmem:v57+s2+$0x0], $0xffff  }
0x68: {  	v29 =	vadd.s32 v5, v53;
	v35 =	vld.idx.msk [tilespmem:v58+s2+$0x0], $0xffff;
	[tilespmem:s21+$0xFFFFFCB0] =	vst v30  }
0x69: {  	v63 =	vperm.xlane v20, v9;
	v61 =	vadd.s32 v5, v54;
	[tilespmem:s21+$0xFFFFFCF0] =	vst v31  }
0x6a: {  	v42 =	vperm.xlane v21, v9;
	v30 =	vld.idx.msk [tilespmem:v59+s2+$0x0], $0xffff  }
0x6b: {  	v43 =	vadd.s32 v1, v63;
	v62 =	vld.idx.msk [tilespmem:v60+s2+$0x0], $0xffff;
	[tilespmem:s21+$0xFFFFFD00] =	vst v25  }
0x6c: {  	v44 =	vadd.s32 v1, v42;
	[tilespmem:s21+$0xFFFFFD40] =	vst v39  }
0x6d: {  	v29 =	vld.idx.msk [tilespmem:v29+s2+$0x0], $0xffff  }
0x6e: {  	v45 =	vadd.s32 v3, v63;
	v31 =	vld.idx.msk [tilespmem:v61+s2+$0x0], $0xffff;
	[tilespmem:s21+$0xFFFFFD10] =	vst v26  }
0x6f: {  	v46 =	vadd.s32 v3, v42;
	[tilespmem:s21+$0xFFFFFD50] =	vst v27  }
0x70: {  	v27 =	vld.idx.msk [tilespmem:v43+s2+$0x0], $0xffff  }
0x71: {  	v47 =	vadd.s32 v4, v63;
	v39 =	vld.idx.msk [tilespmem:v44+s2+$0x0], $0xffff;
	[tilespmem:s21+$0xFFFFFD20] =	vst v23  }
0x72: {  	v48 =	vadd.s32 v4, v42;
	[tilespmem:s21+$0xFFFFFD60] =	vst v52  }
0x73: {  	v26 =	vld.idx.msk [tilespmem:v45+s2+$0x0], $0xffff  }
0x74: {  	v49 =	vadd.s32 v5, v63;
	v37 =	vld.idx.msk [tilespmem:v46+s2+$0x0], $0xffff;
	[tilespmem:s21+$0xFFFFFD30] =	vst v22  }
0x75: {  	v53 =	vperm.xlane v21, v10;
	v50 =	vadd.s32 v5, v42;
	[tilespmem:s21+$0xFFFFFD70] =	vst v24  }
0x76: {  	v52 =	vperm.xlane v20, v10;
	v23 =	vld.idx.msk [tilespmem:v47+s2+$0x0], $0xffff  }
0x77: {  	v55 =	vadd.s32 v1, v53;
	v51 =	vld.idx.msk [tilespmem:v48+s2+$0x0], $0xffff;
	[tilespmem:s21+$0xFFFFFD80] =	vst v33  }
0x78: {  	[tilespmem:s21+$0xFFFFFDC0] =	vst v38;
	v54 =	vadd.s32 v1, v52  }
0x79: {  	v22 =	vld.idx.msk [tilespmem:v49+s2+$0x0], $0xffff  }
0x7a: {  	v56 =	vadd.s32 v3, v52;
	v24 =	vld.idx.msk [tilespmem:v50+s2+$0x0], $0xffff;
	[tilespmem:s21+$0xFFFFFD90] =	vst v34  }
0x7b: {  	v57 =	vadd.s32 v3, v53;
	[tilespmem:s21+$0xFFFFFDD0] =	vst v35  }
0x7c: {  	v38 =	vld.idx.msk [tilespmem:v55+s2+$0x0], $0xffff  }
0x7d: {  	v58 =	vadd.s32 v4, v52;
	v35 =	vld.idx.msk [tilespmem:v54+s2+$0x0], $0xffff;
	[tilespmem:s21+$0xFFFFFDA0] =	vst v30  }
0x7e: {  	v59 =	vadd.s32 v4, v53;
	[tilespmem:s21+$0xFFFFFDE0] =	vst v62  }
0x7f: {  	v32 =	vld.idx.msk [tilespmem:v56+s2+$0x0], $0xffff  }
0x80: {  	v28 =	vadd.s32 v5, v52;
	v36 =	vld.idx.msk [tilespmem:v57+s2+$0x0], $0xffff;
	[tilespmem:s21+$0xFFFFFDB0] =	vst v29  }
0x81: {  	v60 =	vadd.s32 v5, v53;
	v61 =	vperm.xlane v20, v0;
	[tilespmem:s21+$0xFFFFFDF0] =	vst v31  }
0x82: {  	v62 =	vperm.xlane v21, v0;
	v29 =	vld.idx.msk [tilespmem:v58+s2+$0x0], $0xffff  }
0x83: {  	v63 =	vadd.s32 v1, v61;
	v31 =	vld.idx.msk [tilespmem:v59+s2+$0x0], $0xffff;
	[tilespmem:s21+$0xFFFFFE00] =	vst v27  }
0x84: {  	[tilespmem:s21+$0xFFFFFE40] =	vst v39;
	v42 =	vadd.s32 v1, v62  }
0x85: {  	v28 =	vld.idx.msk [tilespmem:v28+s2+$0x0], $0xffff  }
0x86: {  	v43 =	vadd.s32 v3, v61;
	v30 =	vld.idx.msk [tilespmem:v60+s2+$0x0], $0xffff;
	[tilespmem:s21+$0xFFFFFE10] =	vst v26  }
0x87: {  	v44 =	vadd.s32 v3, v62;
	[tilespmem:s21+$0xFFFFFE50] =	vst v37  }
0x88: {  	v34 =	vld.idx.msk [tilespmem:v63+s2+$0x0], $0xffff  }
0x89: {  	v45 =	vadd.s32 v4, v61;
	v39 =	vld.idx.msk [tilespmem:v42+s2+$0x0], $0xffff;
	[tilespmem:s21+$0xFFFFFE20] =	vst v23  }
0x8a: {  	v46 =	vadd.s32 v4, v62;
	[tilespmem:s21+$0xFFFFFE60] =	vst v51  }
0x8b: {  	v25 =	vld.idx.msk [tilespmem:v43+s2+$0x0], $0xffff  }
0x8c: {  	v47 =	vadd.s32 v5, v61;
	v37 =	vld.idx.msk [tilespmem:v44+s2+$0x0], $0xffff;
	[tilespmem:s21+$0xFFFFFE30] =	vst v22  }
0x8d: {  	v50 =	vperm.xlane v21, v11;
	v48 =	vadd.s32 v5, v62;
	[tilespmem:s21+$0xFFFFFE70] =	vst v24  }
0x8e: {  	v49 =	vperm.xlane v20, v11;
	v23 =	vld.idx.msk [tilespmem:v45+s2+$0x0], $0xffff  }
0x8f: {  	v52 =	vadd.s32 v1, v50;
	v26 =	vld.idx.msk [tilespmem:v46+s2+$0x0], $0xffff;
	[tilespmem:s21+$0xFFFFFE80] =	vst v35  }
0x90: {  	v51 =	vadd.s32 v1, v49;
	[tilespmem:s21+$0xFFFFFEC0] =	vst v38  }
0x91: {  	v22 =	vld.idx.msk [tilespmem:v47+s2+$0x0], $0xffff  }
0x92: {  	v53 =	vadd.s32 v3, v49;
	v24 =	vld.idx.msk [tilespmem:v48+s2+$0x0], $0xffff;
	[tilespmem:s21+$0xFFFFFE90] =	vst v32  }
0x93: {  	v54 =	vadd.s32 v3, v50;
	[tilespmem:s21+$0xFFFFFED0] =	vst v36  }
0x94: {  	v38 =	vld.idx.msk [tilespmem:v52+s2+$0x0], $0xffff  }
0x95: {  	v55 =	vadd.s32 v4, v49;
	v35 =	vld.idx.msk [tilespmem:v51+s2+$0x0], $0xffff;
	[tilespmem:s21+$0xFFFFFEA0] =	vst v29  }
0x96: {  	v56 =	vadd.s32 v4, v50;
	[tilespmem:s21+$0xFFFFFEE0] =	vst v31  }
0x97: {  	v31 =	vld.idx.msk [tilespmem:v53+s2+$0x0], $0xffff  }
0x98: {  	v27 =	vadd.s32 v5, v49;
	v36 =	vld.idx.msk [tilespmem:v54+s2+$0x0], $0xffff;
	[tilespmem:s21+$0xFFFFFEB0] =	vst v28  }
0x99: {  	v57 =	vadd.s32 v5, v50;
	v58 =	vperm.xlane v20, v12;
	[tilespmem:s21+$0xFFFFFEF0] =	vst v30  }
0x9a: {  	v59 =	vperm.xlane v21, v12;
	v28 =	vld.idx.msk [tilespmem:v55+s2+$0x0], $0xffff  }
0x9b: {  	v60 =	vadd.s32 v1, v58;
	v30 =	vld.idx.msk [tilespmem:v56+s2+$0x0], $0xffff;
	[tilespmem:s21+$0xFFFFFF00] =	vst v34  }
0x9c: {  	v61 =	vadd.s32 v1, v59;
	[tilespmem:s21+$0xFFFFFF40] =	vst v39  }
0x9d: {  	v27 =	vld.idx.msk [tilespmem:v27+s2+$0x0], $0xffff  }
0x9e: {  	v62 =	vadd.s32 v3, v58;
	v29 =	vld.idx.msk [tilespmem:v57+s2+$0x0], $0xffff;
	[tilespmem:s21+$0xFFFFFF10] =	vst v25  }
0x9f: {  	v63 =	vadd.s32 v3, v59;
	[tilespmem:s21+$0xFFFFFF50] =	vst v37  }
0xa0: {  	v34 =	vld.idx.msk [tilespmem:v60+s2+$0x0], $0xffff  }
0xa1: {  	v41 =	vadd.s32 v4, v58;
	v39 =	vld.idx.msk [tilespmem:v61+s2+$0x0], $0xffff;
	[tilespmem:s21+$0xFFFFFF20] =	vst v23  }
0xa2: {  	v42 =	vadd.s32 v4, v59;
	[tilespmem:s21+$0xFFFFFF60] =	vst v26  }
0xa3: {  	v25 =	vld.idx.msk [tilespmem:v62+s2+$0x0], $0xffff  }
0xa4: {  	v43 =	vadd.s32 v5, v58;
	v37 =	vld.idx.msk [tilespmem:v63+s2+$0x0], $0xffff;
	[tilespmem:s21+$0xFFFFFF30] =	vst v22  }
0xa5: {  	v44 =	vadd.s32 v5, v59;
	v45 =	vperm.xlane v20, v13;
	[tilespmem:s21+$0xFFFFFF70] =	vst v24  }
0xa6: {  	v46 =	vperm.xlane v21, v13;
	v23 =	vld.idx.msk [tilespmem:v41+s2+$0x0], $0xffff  }
0xa7: {  	v47 =	vadd.s32 v1, v45;
	v26 =	vld.idx.msk [tilespmem:v42+s2+$0x0], $0xffff;
	[tilespmem:s21+$0xFFFFFF80] =	vst v35  }
0xa8: {  	v48 =	vadd.s32 v1, v46;
	[tilespmem:s21+$0xFFFFFFC0] =	vst v38  }
0xa9: {  	v22 =	vld.idx.msk [tilespmem:v43+s2+$0x0], $0xffff  }
0xaa: {  	v49 =	vadd.s32 v3, v45;
	v24 =	vld.idx.msk [tilespmem:v44+s2+$0x0], $0xffff;
	[tilespmem:s21+$0xFFFFFF90] =	vst v31  }
0xab: {  	v50 =	vadd.s32 v3, v46;
	[tilespmem:s21+$0xFFFFFFD0] =	vst v36  }
0xac: {  	v35 =	vld.idx.msk [tilespmem:v47+s2+$0x0], $0xffff  }
0xad: {  	v51 =	vadd.s32 v4, v45;
	v38 =	vld.idx.msk [tilespmem:v48+s2+$0x0], $0xffff;
	[tilespmem:s21+$0xFFFFFFA0] =	vst v28  }
0xae: {  	v52 =	vadd.s32 v4, v46;
	[tilespmem:s21+$0xFFFFFFE0] =	vst v30  }
0xaf: {  	v30 =	vld.idx.msk [tilespmem:v49+s2+$0x0], $0xffff  }
0xb0: {  	v53 =	vadd.s32 v5, v45;
	v36 =	vld.idx.msk [tilespmem:v50+s2+$0x0], $0xffff;
	[tilespmem:s21+$0xFFFFFFB0] =	vst v27  }
0xb1: {  	v54 =	vadd.s32 v5, v46;
	v55 =	vperm.xlane v20, v14;
	[tilespmem:s21+$0xFFFFFFF0] =	vst v29  }
0xb2: {  	v56 =	vperm.xlane v21, v14;
	v28 =	vld.idx.msk [tilespmem:v51+s2+$0x0], $0xffff  }
0xb3: {  	v57 =	vadd.s32 v1, v55;
	v31 =	vld.idx.msk [tilespmem:v52+s2+$0x0], $0xffff;
	[tilespmem:s21+$0x0] =	vst v34  }
0xb4: {  	v58 =	vadd.s32 v1, v56;
	[tilespmem:s21+$0x40] =	vst v39  }
0xb5: {  	v27 =	vld.idx.msk [tilespmem:v53+s2+$0x0], $0xffff  }
0xb6: {  	v59 =	vadd.s32 v3, v55;
	v29 =	vld.idx.msk [tilespmem:v54+s2+$0x0], $0xffff;
	[tilespmem:s21+$0x10] =	vst v25  }
0xb7: {  	v60 =	vadd.s32 v3, v56;
	[tilespmem:s21+$0x50] =	vst v37  }
0xb8: {  	v34 =	vld.idx.msk [tilespmem:v57+s2+$0x0], $0xffff  }
0xb9: {  	v61 =	vadd.s32 v4, v55;
	v39 =	vld.idx.msk [tilespmem:v58+s2+$0x0], $0xffff;
	[tilespmem:s21+$0x20] =	vst v23  }
0xba: {  	v62 =	vadd.s32 v4, v56;
	[tilespmem:s21+$0x60] =	vst v26  }
0xbb: {  	v25 =	vld.idx.msk [tilespmem:v59+s2+$0x0], $0xffff  }
0xbc: {  	v63 =	vadd.s32 v5, v55;
	v37 =	vld.idx.msk [tilespmem:v60+s2+$0x0], $0xffff;
	[tilespmem:s21+$0x30] =	vst v22  }
0xbd: {  	v40 =	vadd.s32 v5, v56;
	v41 =	vperm.xlane v20, v15;
	[tilespmem:s21+$0x70] =	vst v24  }
0xbe: {  	v42 =	vperm.xlane v21, v15;
	v23 =	vld.idx.msk [tilespmem:v61+s2+$0x0], $0xffff  }
0xbf: {  	v43 =	vadd.s32 v1, v41;
	v26 =	vld.idx.msk [tilespmem:v62+s2+$0x0], $0xffff;
	[tilespmem:s21+$0x80] =	vst v35  }
0xc0: {  	v44 =	vadd.s32 v1, v42;
	[tilespmem:s21+$0xC0] =	vst v38  }
0xc1: {  	v22 =	vld.idx.msk [tilespmem:v63+s2+$0x0], $0xffff  }
0xc2: {  	v45 =	vadd.s32 v3, v41;
	v24 =	vld.idx.msk [tilespmem:v40+s2+$0x0], $0xffff;
	[tilespmem:s21+$0x90] =	vst v30  }
0xc3: {  	v46 =	vadd.s32 v3, v42;
	[tilespmem:s21+$0xD0] =	vst v36  }
0xc4: {  	v35 =	vld.idx.msk [tilespmem:v43+s2+$0x0], $0xffff  }
0xc5: {  	v47 =	vadd.s32 v4, v41;
	v38 =	vld.idx.msk [tilespmem:v44+s2+$0x0], $0xffff;
	[tilespmem:s21+$0xA0] =	vst v28  }
0xc6: {  	v48 =	vadd.s32 v4, v42;
	[tilespmem:s21+$0xE0] =	vst v31  }
0xc7: {  	v30 =	vld.idx.msk [tilespmem:v45+s2+$0x0], $0xffff  }
0xc8: {  	v49 =	vadd.s32 v5, v41;
	v36 =	vld.idx.msk [tilespmem:v46+s2+$0x0], $0xffff;
	[tilespmem:s21+$0xB0] =	vst v27  }
0xc9: {  	v50 =	vadd.s32 v5, v42;
	v51 =	vperm.xlane v20, v16;
	[tilespmem:s21+$0xF0] =	vst v29  }
0xca: {  	v52 =	vperm.xlane v21, v16;
	v28 =	vld.idx.msk [tilespmem:v47+s2+$0x0], $0xffff  }
0xcb: {  	v53 =	vadd.s32 v1, v51;
	v31 =	vld.idx.msk [tilespmem:v48+s2+$0x0], $0xffff;
	[tilespmem:s21+$0x100] =	vst v34  }
0xcc: {  	v54 =	vadd.s32 v1, v52;
	[tilespmem:s21+$0x140] =	vst v39  }
0xcd: {  	v27 =	vld.idx.msk [tilespmem:v49+s2+$0x0], $0xffff  }
0xce: {  	v55 =	vadd.s32 v3, v51;
	v29 =	vld.idx.msk [tilespmem:v50+s2+$0x0], $0xffff;
	[tilespmem:s21+$0x110] =	vst v25  }
0xcf: {  	v56 =	vadd.s32 v3, v52;
	[tilespmem:s21+$0x150] =	vst v37  }
0xd0: {  	v34 =	vld.idx.msk [tilespmem:v53+s2+$0x0], $0xffff  }
0xd1: {  	v57 =	vadd.s32 v4, v51;
	v39 =	vld.idx.msk [tilespmem:v54+s2+$0x0], $0xffff;
	[tilespmem:s21+$0x120] =	vst v23  }
0xd2: {  	v58 =	vadd.s32 v4, v52;
	[tilespmem:s21+$0x160] =	vst v26  }
0xd3: {  	v25 =	vld.idx.msk [tilespmem:v55+s2+$0x0], $0xffff  }
0xd4: {  	v59 =	vadd.s32 v5, v51;
	v37 =	vld.idx.msk [tilespmem:v56+s2+$0x0], $0xffff;
	[tilespmem:s21+$0x130] =	vst v22  }
0xd5: {  	v60 =	vadd.s32 v5, v52;
	v61 =	vperm.xlane v20, v17;
	[tilespmem:s21+$0x170] =	vst v24  }
0xd6: {  	v62 =	vperm.xlane v21, v17;
	v23 =	vld.idx.msk [tilespmem:v57+s2+$0x0], $0xffff  }
0xd7: {  	v63 =	vadd.s32 v1, v61;
	v26 =	vld.idx.msk [tilespmem:v58+s2+$0x0], $0xffff;
	[tilespmem:s21+$0x180] =	vst v35  }
0xd8: {  	v40 =	vadd.s32 v1, v62;
	[tilespmem:s21+$0x1C0] =	vst v38  }
0xd9: {  	v22 =	vld.idx.msk [tilespmem:v59+s2+$0x0], $0xffff  }
0xda: {  	v41 =	vadd.s32 v3, v61;
	v24 =	vld.idx.msk [tilespmem:v60+s2+$0x0], $0xffff;
	[tilespmem:s21+$0x190] =	vst v30  }
0xdb: {  	v42 =	vadd.s32 v3, v62;
	[tilespmem:s21+$0x1D0] =	vst v36  }
0xdc: {  	v35 =	vld.idx.msk [tilespmem:v63+s2+$0x0], $0xffff  }
0xdd: {  	v43 =	vadd.s32 v4, v61;
	v38 =	vld.idx.msk [tilespmem:v40+s2+$0x0], $0xffff;
	[tilespmem:s21+$0x1A0] =	vst v28  }
0xde: {  	v44 =	vadd.s32 v4, v62;
	[tilespmem:s21+$0x1E0] =	vst v31  }
0xdf: {  	v30 =	vld.idx.msk [tilespmem:v41+s2+$0x0], $0xffff  }
0xe0: {  	v45 =	vadd.s32 v5, v61;
	v36 =	vld.idx.msk [tilespmem:v42+s2+$0x0], $0xffff;
	[tilespmem:s21+$0x1B0] =	vst v27  }
0xe1: {  	v46 =	vadd.s32 v5, v62;
	v47 =	vperm.xlane v20, v18;
	[tilespmem:s21+$0x1F0] =	vst v29  }
0xe2: {  	v48 =	vperm.xlane v21, v18;
	v28 =	vld.idx.msk [tilespmem:v43+s2+$0x0], $0xffff  }
0xe3: {  	v49 =	vadd.s32 v1, v47;
	v31 =	vld.idx.msk [tilespmem:v44+s2+$0x0], $0xffff;
	[tilespmem:s21+$0x200] =	vst v34  }
0xe4: {  	v50 =	vadd.s32 v1, v48;
	[tilespmem:s21+$0x240] =	vst v39  }
0xe5: {  	v27 =	vld.idx.msk [tilespmem:v45+s2+$0x0], $0xffff  }
0xe6: {  	v51 =	vadd.s32 v3, v47;
	v29 =	vld.idx.msk [tilespmem:v46+s2+$0x0], $0xffff;
	[tilespmem:s21+$0x210] =	vst v25  }
0xe7: {  	v52 =	vadd.s32 v3, v48;
	[tilespmem:s21+$0x250] =	vst v37  }
0xe8: {  	v34 =	vld.idx.msk [tilespmem:v49+s2+$0x0], $0xffff  }
0xe9: {  	v53 =	vadd.s32 v4, v47;
	v39 =	vld.idx.msk [tilespmem:v50+s2+$0x0], $0xffff;
	[tilespmem:s21+$0x220] =	vst v23  }
0xea: {  	v54 =	vadd.s32 v4, v48;
	[tilespmem:s21+$0x260] =	vst v26  }
0xeb: {  	v25 =	vld.idx.msk [tilespmem:v51+s2+$0x0], $0xffff  }
0xec: {  	v55 =	vadd.s32 v5, v47;
	v37 =	vld.idx.msk [tilespmem:v52+s2+$0x0], $0xffff;
	[tilespmem:s21+$0x230] =	vst v22  }
0xed: {  	v20 =	vperm.xlane v20, v19;
	v56 =	vadd.s32 v5, v48;
	[tilespmem:s21+$0x270] =	vst v24  }
0xee: {  	v21 =	vperm.xlane v21, v19;
	v23 =	vld.idx.msk [tilespmem:v53+s2+$0x0], $0xffff  }
0xef: {  	v57 =	vadd.s32 v1, v20;
	v26 =	vld.idx.msk [tilespmem:v54+s2+$0x0], $0xffff;
	[tilespmem:s21+$0x280] =	vst v35  }
0xf0: {  	v58 =	vadd.s32 v1, v21;
	[tilespmem:s21+$0x2C0] =	vst v38  }
0xf1: {  	v22 =	vld.idx.msk [tilespmem:v55+s2+$0x0], $0xffff  }
0xf2: {  	v59 =	vadd.s32 v3, v20;
	v24 =	vld.idx.msk [tilespmem:v56+s2+$0x0], $0xffff;
	[tilespmem:s21+$0x290] =	vst v30  }
0xf3: {  	v60 =	vadd.s32 v3, v21;
	[tilespmem:s21+$0x2D0] =	vst v36  }
0xf4: {  	v32 =	vld.idx.msk [tilespmem:v57+s2+$0x0], $0xffff  }
0xf5: {  	v61 =	vadd.s32 v4, v20;
	v33 =	vld.idx.msk [tilespmem:v58+s2+$0x0], $0xffff;
	[tilespmem:s21+$0x2A0] =	vst v28  }
0xf6: {  	v62 =	vadd.s32 v4, v21;
	[tilespmem:s21+$0x2E0] =	vst v31  }
0xf7: {  	v30 =	vld.idx.msk [tilespmem:v59+s2+$0x0], $0xffff  }
0xf8: {  	v20 =	vadd.s32 v5, v20;
	v35 =	vld.idx.msk [tilespmem:v60+s2+$0x0], $0xffff;
	[tilespmem:s21+$0x2B0] =	vst v27  }
0xf9: {  	v21 =	vadd.s32 v5, v21;
	[tilespmem:s21+$0x2F0] =	vst v29  }
0xfa: {  	v27 =	vld.idx.msk [tilespmem:v61+s2+$0x0], $0xffff  }
0xfb: {  	v63 =	vld.idx.msk [tilespmem:v62+s2+$0x0], $0xffff;
	[tilespmem:s21+$0x300] =	vst v34  }
0xfc: {  	[tilespmem:s21+$0x340] =	vst v39  }
0xfd: {  	v20 =	vld.idx.msk [tilespmem:v20+s2+$0x0], $0xffff  }
0xfe: {  	v21 =	vld.idx.msk [tilespmem:v21+s2+$0x0], $0xffff;
	[tilespmem:s21+$0x310] =	vst v25  }
0xff: {  	[tilespmem:s21+$0x350] =	vst v37  }
0x100: {  	[tilespmem:s21+$0x320] =	vst v23  }
0x101: {  	[tilespmem:s21+$0x360] =	vst v26  }
0x102: {  	[tilespmem:s21+$0x330] =	vst v22  }
0x103: {  	[tilespmem:s21+$0x370] =	vst v24  }
0x104: {  	[tilespmem:s21+$0x380] =	vst v32  }
0x105: {  	[tilespmem:s21+$0x3C0] =	vst v33  }
0x106: {  	p0 =	sgt.s32 s22, $0xE;
	[tilespmem:s21+$0x390] =	vst v30  }
.Ltmp4:
0x107: {  	[tilespmem:s21+$0x3D0] =	vst v35;
	(pc) =	sbr.rel @!p0 .LBB2_3-.Ltmp4, $4  }
0x108: {  	[tilespmem:s21+$0x3A0] =	vst v27  }
0x109: {  	[tilespmem:s21+$0x3E0] =	vst v63  }
0x10a: {  	[tilespmem:s21+$0x3B0] =	vst v20  }
0x10b: {  	[tilespmem:s21+$0x3F0] =	vst v21  }
0x10c: {  	p0 =	sgt.s32 s22, $0x16  }
.Ltmp5:
0x10d: {  	_ = 	snop;
	(pc) =	sbr.rel @p0 .LBB2_12-.Ltmp5, $1  }
0x10e: {  	_ =	sdelay $0x3  }
0x10f: {  	p0 =	seq.s32 s22, $0xF  }
.Ltmp6:
0x110: {  	_ = 	snop;
	(pc) =	sbr.rel @p0 .LBB2_16-.Ltmp6, $1  }
0x111: {  	_ =	sdelay $0x3  }
0x112: {  	p0 =	seq.s32 s22, $0x13  }
.Ltmp7:
0x113: {  	_ = 	snop;
	(pc) =	sbr.rel @!p0 .LBB2_19-.Ltmp7, $1  }
0x114: {  	_ =	sdelay $0x3  }
.Ltmp8:
0x115: {  	(pc) =	sbr.rel .LBB2_18-.Ltmp8, $2  }
0x116: {  	_ =	sdelay $0x2  }
0x117: {  	s23 =	simm.s32 $0x8D00;
	s24 =	smov.u32 s9  }
.LBB2_3:
0x118: {  	p0 =	seq.s32 s22, $0x3  }
.Ltmp9:
0x119: {  	_ = 	snop;
	(pc) =	sbr.rel @p0 .LBB2_4-.Ltmp9, $1  }
0x11a: {  	_ =	sdelay $0x3  }
0x11b: {  	p0 =	seq.s32 s22, $0x7  }
.Ltmp10:
0x11c: {  	_ = 	snop;
	(pc) =	sbr.rel @p0 .LBB2_15-.Ltmp10, $1  }
0x11d: {  	_ =	sdelay $0x3  }
0x11e: {  	p0 =	seq.s32 s22, $0xB  }
.Ltmp11:
0x11f: {  	_ = 	snop;
	(pc) =	sbr.rel @!p0 .LBB2_19-.Ltmp11, $1  }
0x120: {  	_ =	sdelay $0x3  }
.Ltmp12:
0x121: {  	(pc) =	sbr.rel .LBB2_18-.Ltmp12, $2  }
0x122: {  	_ =	sdelay $0x2  }
0x123: {  	s23 =	simm.s32 $0x4D00;
	s24 =	smov.u32 s11  }
.LBB2_12:
0x124: {  	p0 =	seq.s32 s22, $0x17  }
.Ltmp13:
0x125: {  	_ = 	snop;
	(pc) =	sbr.rel @p0 .LBB2_17-.Ltmp13, $1  }
0x126: {  	_ =	sdelay $0x3  }
0x127: {  	p0 =	seq.s32 s22, $0x1B  }
.Ltmp14:
0x128: {  	_ = 	snop;
	(pc) =	sbr.rel @!p0 .LBB2_19-.Ltmp14, $1  }
0x129: {  	_ =	sdelay $0x3  }
.Ltmp15:
0x12a: {  	(pc) =	sbr.rel .LBB2_18-.Ltmp15, $2  }
0x12b: {  	_ =	sdelay $0x2  }
0x12c: {  	s23 =	simm.s32 $0xCD00;
	s24 =	smov.u32 s7  }
.LBB2_16:
.Ltmp16:
0x12d: {  	(pc) =	sbr.rel .LBB2_18-.Ltmp16, $2  }
0x12e: {  	_ =	sdelay $0x2  }
0x12f: {  	s23 =	simm.s32 $0x6D00;
	s24 =	smov.u32 s10  }
.LBB2_17:
.Ltmp17:
0x130: {  	(pc) =	sbr.rel .LBB2_18-.Ltmp17, $2  }
0x131: {  	_ =	sdelay $0x2  }
0x132: {  	s23 =	simm.s32 $0xAD00;
	s24 =	smov.u32 s8  }
.LBB2_15:
.Ltmp18:
0x133: {  	(pc) =	sbr.rel .LBB2_18-.Ltmp18, $2  }
0x134: {  	_ =	sdelay $0x2  }
0x135: {  	s23 =	simm.s32 $0x2D00;
	s24 =	smov.u32 s12  }
.LBB2_21:
0x136: {  	_ =	sfence.sel $0x180000  }
0x137: {  	[bflag:$0x0] =	sbarrier.arrive $0xFFFF  }
0x138: {  	p0 =	sne.s32 s1, $0x0;
	_ =	strace $0x90000047  }
0x139: {  	s0 =	sadd.s32 @!p0 $0x100000, s0;
	[bflag:$0x2] =	sbarrier.arrive $0xFFFF  }
0x13a: {  	[sflag:s0] =	ssyncadd.tile.s32 @!p0 $0x1;
	_ =	shalt  }
.Lfunc_end2:
_tile_overlayer_lowered:
.L_overlay_start_2:
0x13b: {  	(tag) =	ssettag $0x2  }
0x13c: {  	s0 =	rddreg [dreg:$0x0];
	s2 =	stileid.u32  }
0x13d: {  	s1 =	rddreg [dreg:$0x1];
	p0 =	sne.s32 s2, $0x0  }
0x13e: {  	s3 =	rddreg [dreg:$0x2];
	[bflag:$0x3] =	sbarrier.arrive $0xFFFF;
	s2 =	simm.s32 @!p0 $0x1C02  }
0x13f: {  	[timem:s3], [sflag:s2] =	dma.local @!p0 [hbm:s0], s1  }
0x140: {  	s0 =	simm.s32 @!p0 $0x2  }
0x141: {  	_ =	swait.ge @!p0 [sflag:s0], s1  }
0x142: {  	s1 =	ssub.s32 @!p0 $0x0, s1;
	[sflag:s0] =	ssyncset.done @!p0 $0x0  }
0x143: {  	[sflag:s0] =	ssyncadd.s32 @!p0 s1  }
0x144: {  	[bflag:$0x3] =	sbarrier.arrive $0xFFFF  }
0x145: {  	_ =	shalt  }

</sc_bundles>
